<compile_context>
chip_gen: v7x
topology: tpu7x:2x2x1
jax: 0.10.2.dev20260603
libtpu: 0.0.44.dev20260713+nightly
codegen_flags: <defaults>
</compile_context>

<pallas_src>
import functools

import jax
import jax.numpy as jnp
from jax import lax
from jax.experimental import pallas as pl
from jax.experimental.pallas import tpu as pltpu
from jax.experimental.pallas import tpu_sc as plsc

N_DST = 10000
D = 128
E_TOTAL = 320000

NUM_CORES = 2
NUM_SUBCORES = 16
NUM_WORKERS = NUM_CORES * NUM_SUBCORES

CHUNK = 128
PAGE = 40
NBUF = 2
CHUNKS_PER_WORKER = 80
E_PAD = NUM_WORKERS * CHUNKS_PER_WORKER * CHUNK

ACC_ROWS = 10112
ROWS_PER_TILE = ACC_ROWS // NUM_SUBCORES


def _segsum_body(src_rep_hbm, srcidx_hbm, dstidx_hbm, out_hbm,
                 srcidx_v, dstidx_v, buf0, buf1, zbuf, acc,
                 gsem0, gsem1, ssem0, ssem1):
    c = lax.axis_index("c")
    s = lax.axis_index("s")
    wid = c * NUM_SUBCORES + s

    zeros16 = jnp.zeros((16,), jnp.float32)
    for zr in range(8):
        for zc in range(D // 16):
            zbuf[zr, pl.ds(zc * 16, 16)] = zeros16

    r0 = s * ROWS_PER_TILE

    @pl.loop(0, ROWS_PER_TILE // 8)
    def _(k):
        pltpu.sync_copy(zbuf, acc.at[pl.ds(r0 + k * 8, 8)])
    plsc.subcore_barrier()

    bufs = (buf0, buf1)
    gsems = (gsem0, gsem1)
    ssems = (ssem0, ssem1)

    def start_gather(j, b):
        pltpu.async_copy(src_rep_hbm.at[srcidx_v.at[j]], bufs[b], gsems[b])

    def run_page(p):
        pltpu.sync_copy(srcidx_hbm.at[wid, pl.ds(p * PAGE, PAGE)], srcidx_v)
        pltpu.sync_copy(dstidx_hbm.at[wid, pl.ds(p * PAGE, PAGE)], dstidx_v)

        start_gather(0, 0)
        start_gather(1, 1)

        @pl.loop(0, PAGE, step=NBUF)
        def _(i):
            for b in range(NBUF):
                j = i + b
                pltpu.make_async_copy(src_rep_hbm.at[srcidx_v.at[j]],
                                      bufs[b], gsems[b]).wait()
                pltpu.async_copy(bufs[b], acc.at[dstidx_v.at[j]], ssems[b],
                                 add=True)
                pltpu.make_async_copy(bufs[b], acc.at[dstidx_v.at[j]],
                                      ssems[b]).wait()

                @pl.when(j + NBUF < PAGE)
                def _():
                    start_gather(j + NBUF, b)

    for p in range(CHUNKS_PER_WORKER // PAGE):
        run_page(p)

    plsc.subcore_barrier()
    pltpu.sync_copy(acc.at[pl.ds(r0, ROWS_PER_TILE)],
                    out_hbm.at[c, pl.ds(r0, ROWS_PER_TILE)])


_segsum = functools.partial(
    pl.kernel,
    out_type=jax.ShapeDtypeStruct((NUM_CORES, ACC_ROWS, D), jnp.float32),
    mesh=plsc.VectorSubcoreMesh(core_axis_name="c", subcore_axis_name="s"),
    scratch_types=[
        pltpu.VMEM((PAGE, CHUNK), jnp.int32),
        pltpu.VMEM((PAGE, CHUNK), jnp.int32),
        pltpu.VMEM((CHUNK, D), jnp.float32),
        pltpu.VMEM((CHUNK, D), jnp.float32),
        pltpu.VMEM((8, D), jnp.float32),
        pltpu.VMEM_SHARED((ACC_ROWS, D), jnp.float32),
        pltpu.SemaphoreType.DMA,
        pltpu.SemaphoreType.DMA,
        pltpu.SemaphoreType.DMA,
        pltpu.SemaphoreType.DMA,
    ],
)(_segsum_body)


def _mlp_body(dst_ref, p_ref, w_ref, b_ref, o_ref):
    x1 = dst_ref[...]
    x2 = p_ref[0] + p_ref[1]
    w = w_ref[...]
    acc = lax.dot_general(x1, w[:, :D], (((1,), (1,)), ((), ())),
                          preferred_element_type=jnp.float32)
    acc = acc + lax.dot_general(x2, w[:, D:], (((1,), (1,)), ((), ())),
                                preferred_element_type=jnp.float32)
    o_ref[...] = jnp.maximum(acc + b_ref[...], 0.0)


def kernel(src_rep, dst_rep, edge_index, W, b):
    src = edge_index[0].astype(jnp.int32)
    dst = edge_index[1].astype(jnp.int32)
    e = src.shape[0]
    pad = E_PAD - e
    pad_src = jnp.arange(pad, dtype=jnp.int32) % src_rep.shape[0]
    pad_dst = N_DST + jnp.arange(pad, dtype=jnp.int32) % (ACC_ROWS - N_DST)
    src_p = jnp.concatenate([src, pad_src])
    dst_p = jnp.concatenate([dst, pad_dst.astype(jnp.int32)])

    src3 = src_p.reshape(NUM_WORKERS, CHUNKS_PER_WORKER, CHUNK)
    dst3 = dst_p.reshape(NUM_WORKERS, CHUNKS_PER_WORKER, CHUNK)

    partials = _segsum(src_rep, src3, dst3)

    n = dst_rep.shape[0]
    block = 1000
    grid = n // block
    out = pl.pallas_call(
        _mlp_body,
        grid=(grid,),
        in_specs=[
            pl.BlockSpec((block, D), lambda i: (i, 0)),
            pl.BlockSpec((NUM_CORES, block, D), lambda i: (0, i, 0)),
            pl.BlockSpec((D, 2 * D), lambda i: (0, 0)),
            pl.BlockSpec((1, D), lambda i: (0, 0)),
        ],
        out_specs=pl.BlockSpec((block, D), lambda i: (i, 0)),
        out_shape=jax.ShapeDtypeStruct((n, D), jnp.float32),
    )(dst_rep, partials, W, b.reshape(1, D))
    return out

# --- scband reference (transcript-rebuilt; emitter-appended) ---
"""Pipeline reference for scband-message-passing-net-25348896981718 (READ-ONLY COPY).

The authoritative reference and input builder live on the scoring server;
editing this copy changes nothing except your own understanding.
"""

import jax, jax.numpy as jnp
import numpy as np

N_SRC = 10000
N_DST = 10000
E = 320000
D = 128


def setup_inputs(seed: int = 0) -> dict:
    key = jax.random.key(seed)
    k1, k2, k3, k4, k5 = jax.random.split(key, 5)
    src_rep = jax.random.normal(k1, (N_SRC, D), dtype=jnp.float32)
    dst_rep = jax.random.normal(k2, (N_DST, D), dtype=jnp.float32)
    edge_index = jax.random.randint(k3, (2, E), 0, N_SRC, dtype=jnp.int64)
    # NodeUpdater MLP: Linear(concat_size=2*D -> D), then ReLU, Dropout (eval -> identity)
    W = jax.random.normal(k4, (D, 2 * D), dtype=jnp.float32) * (1.0 / np.sqrt(2 * D))
    b = jax.random.normal(k5, (D,), dtype=jnp.float32) * 0.01
    return {"src_rep": src_rep, "dst_rep": dst_rep, "edge_index": edge_index, "W": W, "b": b}


def reference(src_rep, dst_rep, edge_index, W, b):
    # interlevel_forward: copy_src('rep') along (prev_level -> node_type) edges,
    # sum-reduce into 'sum_prev_level_reps', then NodeUpdater MLP on
    # concat([dst node reps, summed prev-level reps]).
    src = edge_index[0]
    dst = edge_index[1]
    msgs = jnp.take(src_rep, src, axis=0)                       # gather: copy_src
    summed = jax.ops.segment_sum(msgs, dst, num_segments=dst_rep.shape[0])  # scatter-add: dgl.function.sum
    concat = jnp.concatenate([dst_rep, summed], axis=1)         # torch.cat([node_reps, add_info], 1)
    new_rep = jnp.maximum(concat @ W.T + b, 0.0)                # Linear + ReLU; Dropout is identity in eval
    return new_rep

if __name__ == "__main__":
    import jax
    _d = setup_inputs()
    print(jax.jit(kernel)(*tuple(_d.values())))

</pallas_src>

<mosaic_0001>
#map = affine_map<(d0, d1) -> (0, 0)>
#map1 = affine_map<(d0, d1) -> (0, 0, 0)>
module attributes {stable_mosaic.version = 14 : i64} {
  func.func @_segsum_body(%arg0: i32, %arg1: i32, %arg2: memref<10000x128xf32, #tpu.memory_space<hbm>>, %arg3: memref<32x80x128xi32, #tpu.memory_space<hbm>>, %arg4: memref<32x80x128xi32, #tpu.memory_space<hbm>>, %arg5: memref<2x10112x128xf32, #tpu.memory_space<hbm>>, %arg6: memref<40x128xi32, #tpu.memory_space<vmem>>, %arg7: memref<40x128xi32, #tpu.memory_space<vmem>>, %arg8: memref<128x128xf32, #tpu.memory_space<vmem>>, %arg9: memref<128x128xf32, #tpu.memory_space<vmem>>, %arg10: memref<8x128xf32, #tpu.memory_space<vmem>>, %arg11: memref<10112x128xf32, #tpu.memory_space<vmem_shared>>, %arg12: memref<!tpu.dma_semaphore, #tpu.memory_space<semaphore_mem>>, %arg13: memref<!tpu.dma_semaphore, #tpu.memory_space<semaphore_mem>>, %arg14: memref<!tpu.dma_semaphore, #tpu.memory_space<semaphore_mem>>, %arg15: memref<!tpu.dma_semaphore, #tpu.memory_space<semaphore_mem>>) attributes {dimension_semantics = [#tpu.dimension_semantics<core_parallel>, #tpu.dimension_semantics<subcore_parallel>], iteration_bounds = array<i64: 2, 16>, scalar_prefetch = 0 : i64, scratch_operands = 10 : i64, tpu.core_type = #tpu.core_type<sc_vector_subcore>, window_params = [{transform_indices = #map}, {transform_indices = #map1}, {transform_indices = #map1}, {transform_indices = #map1}]} {
    %mul3A = arith.constant 16 : i32
    %mul3A_0 = arith.muli %arg0, %mul3A : i32
    %add3A = arith.addi %mul3A_0, %arg1 : i32
    %broadcast_in_dim3A = arith.constant 0.000000e+00 : f32
    %broadcast_in_dim3A_1 = vector.broadcast %broadcast_in_dim3A : f32 to vector<16xf32>
    %swap3A = arith.constant 0 : i32
    %swap3A_2 = arith.index_cast %swap3A : i32 to index
    %swap3A_3 = arith.constant 0 : index
    %swap3A_4 = tpu.vector_load %arg10[%swap3A_2, %swap3A_3] {strides = array<i32>} : memref<8x128xf32, #tpu.memory_space<vmem>>, vector<1x16xf32>,
    %swap3A_5 = vector.shape_cast %swap3A_4 : vector<1x16xf32> to vector<16xf32>
    %swap3A_6 = vector.shape_cast %broadcast_in_dim3A_1 : vector<16xf32> to vector<1x16xf32>
    tpu.vector_store %arg10[%swap3A_2, %swap3A_3], %swap3A_6 {strides = array<i32>} : memref<8x128xf32, #tpu.memory_space<vmem>>, vector<1x16xf32>,
    %swap3A_7 = arith.constant 0 : i32
    %swap3A_8 = arith.index_cast %swap3A_7 : i32 to index
    %swap3A_9 = arith.constant 16 : index
    %swap3A_10 = tpu.vector_load %arg10[%swap3A_8, %swap3A_9] {strides = array<i32>} : memref<8x128xf32, #tpu.memory_space<vmem>>, vector<1x16xf32>,
    %swap3A_11 = vector.shape_cast %swap3A_10 : vector<1x16xf32> to vector<16xf32>
    %swap3A_12 = vector.shape_cast %broadcast_in_dim3A_1 : vector<16xf32> to vector<1x16xf32>
    tpu.vector_store %arg10[%swap3A_8, %swap3A_9], %swap3A_12 {strides = array<i32>} : memref<8x128xf32, #tpu.memory_space<vmem>>, vector<1x16xf32>,
    %swap3A_13 = arith.constant 0 : i32
    %swap3A_14 = arith.index_cast %swap3A_13 : i32 to index
    %swap3A_15 = arith.constant 32 : index
    %swap3A_16 = tpu.vector_load %arg10[%swap3A_14, %swap3A_15] {strides = array<i32>} : memref<8x128xf32, #tpu.memory_space<vmem>>, vector<1x16xf32>,
    %swap3A_17 = vector.shape_cast %swap3A_16 : vector<1x16xf32> to vector<16xf32>
    %swap3A_18 = vector.shape_cast %broadcast_in_dim3A_1 : vector<16xf32> to vector<1x16xf32>
    tpu.vector_store %arg10[%swap3A_14, %swap3A_15], %swap3A_18 {strides = array<i32>} : memref<8x128xf32, #tpu.memory_space<vmem>>, vector<1x16xf32>,
    %swap3A_19 = arith.constant 0 : i32
    %swap3A_20 = arith.index_cast %swap3A_19 : i32 to index
    %swap3A_21 = arith.constant 48 : index
    %swap3A_22 = tpu.vector_load %arg10[%swap3A_20, %swap3A_21] {strides = array<i32>} : memref<8x128xf32, #tpu.memory_space<vmem>>, vector<1x16xf32>,
    %swap3A_23 = vector.shape_cast %swap3A_22 : vector<1x16xf32> to vector<16xf32>
    %swap3A_24 = vector.shape_cast %broadcast_in_dim3A_1 : vector<16xf32> to vector<1x16xf32>
    tpu.vector_store %arg10[%swap3A_20, %swap3A_21], %swap3A_24 {strides = array<i32>} : memref<8x128xf32, #tpu.memory_space<vmem>>, vector<1x16xf32>,
    %swap3A_25 = arith.constant 0 : i32
    %swap3A_26 = arith.index_cast %swap3A_25 : i32 to index
    %swap3A_27 = arith.constant 64 : index
    %swap3A_28 = tpu.vector_load %arg10[%swap3A_26, %swap3A_27] {strides = array<i32>} : memref<8x128xf32, #tpu.memory_space<vmem>>, vector<1x16xf32>,
    %swap3A_29 = vector.shape_cast %swap3A_28 : vector<1x16xf32> to vector<16xf32>
    %swap3A_30 = vector.shape_cast %broadcast_in_dim3A_1 : vector<16xf32> to vector<1x16xf32>
    tpu.vector_store %arg10[%swap3A_26, %swap3A_27], %swap3A_30 {strides = array<i32>} : memref<8x128xf32, #tpu.memory_space<vmem>>, vector<1x16xf32>,
    %swap3A_31 = arith.constant 0 : i32
    %swap3A_32 = arith.index_cast %swap3A_31 : i32 to index
    %swap3A_33 = arith.constant 80 : index
    %swap3A_34 = tpu.vector_load %arg10[%swap3A_32, %swap3A_33] {strides = array<i32>} : memref<8x128xf32, #tpu.memory_space<vmem>>, vector<1x16xf32>,
    %swap3A_35 = vector.shape_cast %swap3A_34 : vector<1x16xf32> to vector<16xf32>
    %swap3A_36 = vector.shape_cast %broadcast_in_dim3A_1 : vector<16xf32> to vector<1x16xf32>
    tpu.vector_store %arg10[%swap3A_32, %swap3A_33], %swap3A_36 {strides = array<i32>} : memref<8x128xf32, #tpu.memory_space<vmem>>, vector<1x16xf32>,
    %swap3A_37 = arith.constant 0 : i32
    %swap3A_38 = arith.index_cast %swap3A_37 : i32 to index
    %swap3A_39 = arith.constant 96 : index
    %swap3A_40 = tpu.vector_load %arg10[%swap3A_38, %swap3A_39] {strides = array<i32>} : memref<8x128xf32, #tpu.memory_space<vmem>>, vector<1x16xf32>,
    %swap3A_41 = vector.shape_cast %swap3A_40 : vector<1x16xf32> to vector<16xf32>
    %swap3A_42 = vector.shape_cast %broadcast_in_dim3A_1 : vector<16xf32> to vector<1x16xf32>
    tpu.vector_store %arg10[%swap3A_38, %swap3A_39], %swap3A_42 {strides = array<i32>} : memref<8x128xf32, #tpu.memory_space<vmem>>, vector<1x16xf32>,
    %swap3A_43 = arith.constant 0 : i32
    %swap3A_44 = arith.index_cast %swap3A_43 : i32 to index
    %swap3A_45 = arith.constant 112 : index
    %swap3A_46 = tpu.vector_load %arg10[%swap3A_44, %swap3A_45] {strides = array<i32>} : memref<8x128xf32, #tpu.memory_space<vmem>>, vector<1x16xf32>,
    %swap3A_47 = vector.shape_cast %swap3A_46 : vector<1x16xf32> to vector<16xf32>
    %swap3A_48 = vector.shape_cast %broadcast_in_dim3A_1 : vector<16xf32> to vector<1x16xf32>
    tpu.vector_store %arg10[%swap3A_44, %swap3A_45], %swap3A_48 {strides = array<i32>} : memref<8x128xf32, #tpu.memory_space<vmem>>, vector<1x16xf32>,
    %swap3A_49 = arith.constant 1 : i32
    %swap3A_50 = arith.index_cast %swap3A_49 : i32 to index
    %swap3A_51 = arith.constant 0 : index
    %swap3A_52 = tpu.vector_load %arg10[%swap3A_50, %swap3A_51] {strides = array<i32>} : memref<8x128xf32, #tpu.memory_space<vmem>>, vector<1x16xf32>,
    %swap3A_53 = vector.shape_cast %swap3A_52 : vector<1x16xf32> to vector<16xf32>
    %swap3A_54 = vector.shape_cast %broadcast_in_dim3A_1 : vector<16xf32> to vector<1x16xf32>
    tpu.vector_store %arg10[%swap3A_50, %swap3A_51], %swap3A_54 {strides = array<i32>} : memref<8x128xf32, #tpu.memory_space<vmem>>, vector<1x16xf32>,
    %swap3A_55 = arith.constant 1 : i32
    %swap3A_56 = arith.index_cast %swap3A_55 : i32 to index
    %swap3A_57 = arith.constant 16 : index
    %swap3A_58 = tpu.vector_load %arg10[%swap3A_56, %swap3A_57] {strides = array<i32>} : memref<8x128xf32, #tpu.memory_space<vmem>>, vector<1x16xf32>,
    %swap3A_59 = vector.shape_cast %swap3A_58 : vector<1x16xf32> to vector<16xf32>
    %swap3A_60 = vector.shape_cast %broadcast_in_dim3A_1 : vector<16xf32> to vector<1x16xf32>
    tpu.vector_store %arg10[%swap3A_56, %swap3A_57], %swap3A_60 {strides = array<i32>} : memref<8x128xf32, #tpu.memory_space<vmem>>, vector<1x16xf32>,
    %swap3A_61 = arith.constant 1 : i32
    %swap3A_62 = arith.index_cast %swap3A_61 : i32 to index
    %swap3A_63 = arith.constant 32 : index
    %swap3A_64 = tpu.vector_load %arg10[%swap3A_62, %swap3A_63] {strides = array<i32>} : memref<8x128xf32, #tpu.memory_space<vmem>>, vector<1x16xf32>,
    %swap3A_65 = vector.shape_cast %swap3A_64 : vector<1x16xf32> to vector<16xf32>
    %swap3A_66 = vector.shape_cast %broadcast_in_dim3A_1 : vector<16xf32> to vector<1x16xf32>
    tpu.vector_store %arg10[%swap3A_62, %swap3A_63], %swap3A_66 {strides = array<i32>} : memref<8x128xf32, #tpu.memory_space<vmem>>, vector<1x16xf32>,
    %swap3A_67 = arith.constant 1 : i32
    %swap3A_68 = arith.index_cast %swap3A_67 : i32 to index
    %swap3A_69 = arith.constant 48 : index
    %swap3A_70 = tpu.vector_load %arg10[%swap3A_68, %swap3A_69] {strides = array<i32>} : memref<8x128xf32, #tpu.memory_space<vmem>>, vector<1x16xf32>,
    %swap3A_71 = vector.shape_cast %swap3A_70 : vector<1x16xf32> to vector<16xf32>
    %swap3A_72 = vector.shape_cast %broadcast_in_dim3A_1 : vector<16xf32> to vector<1x16xf32>
    tpu.vector_store %arg10[%swap3A_68, %swap3A_69], %swap3A_72 {strides = array<i32>} : memref<8x128xf32, #tpu.memory_space<vmem>>, vector<1x16xf32>,
    %swap3A_73 = arith.constant 1 : i32
    %swap3A_74 = arith.index_cast %swap3A_73 : i32 to index
    %swap3A_75 = arith.constant 64 : index
    %swap3A_76 = tpu.vector_load %arg10[%swap3A_74, %swap3A_75] {strides = array<i32>} : memref<8x128xf32, #tpu.memory_space<vmem>>, vector<1x16xf32>,
    %swap3A_77 = vector.shape_cast %swap3A_76 : vector<1x16xf32> to vector<16xf32>
    %swap3A_78 = vector.shape_cast %broadcast_in_dim3A_1 : vector<16xf32> to vector<1x16xf32>
    tpu.vector_store %arg10[%swap3A_74, %swap3A_75], %swap3A_78 {strides = array<i32>} : memref<8x128xf32, #tpu.memory_space<vmem>>, vector<1x16xf32>,
    %swap3A_79 = arith.constant 1 : i32
    %swap3A_80 = arith.index_cast %swap3A_79 : i32 to index
    %swap3A_81 = arith.constant 80 : index
    %swap3A_82 = tpu.vector_load %arg10[%swap3A_80, %swap3A_81] {strides = array<i32>} : memref<8x128xf32, #tpu.memory_space<vmem>>, vector<1x16xf32>,
    %swap3A_83 = vector.shape_cast %swap3A_82 : vector<1x16xf32> to vector<16xf32>
    %swap3A_84 = vector.shape_cast %broadcast_in_dim3A_1 : vector<16xf32> to vector<1x16xf32>
    tpu.vector_store %arg10[%swap3A_80, %swap3A_81], %swap3A_84 {strides = array<i32>} : memref<8x128xf32, #tpu.memory_space<vmem>>, vector<1x16xf32>,
    %swap3A_85 = arith.constant 1 : i32
    %swap3A_86 = arith.index_cast %swap3A_85 : i32 to index
    %swap3A_87 = arith.constant 96 : index
    %swap3A_88 = tpu.vector_load %arg10[%swap3A_86, %swap3A_87] {strides = array<i32>} : memref<8x128xf32, #tpu.memory_space<vmem>>, vector<1x16xf32>,
    %swap3A_89 = vector.shape_cast %swap3A_88 : vector<1x16xf32> to vector<16xf32>
    %swap3A_90 = vector.shape_cast %broadcast_in_dim3A_1 : vector<16xf32> to vector<1x16xf32>
    tpu.vector_store %arg10[%swap3A_86, %swap3A_87], %swap3A_90 {strides = array<i32>} : memref<8x128xf32, #tpu.memory_space<vmem>>, vector<1x16xf32>,
    %swap3A_91 = arith.constant 1 : i32
    %swap3A_92 = arith.index_cast %swap3A_91 : i32 to index
    %swap3A_93 = arith.constant 112 : index
    %swap3A_94 = tpu.vector_load %arg10[%swap3A_92, %swap3A_93] {strides = array<i32>} : memref<8x128xf32, #tpu.memory_space<vmem>>, vector<1x16xf32>,
    %swap3A_95 = vector.shape_cast %swap3A_94 : vector<1x16xf32> to vector<16xf32>
    %swap3A_96 = vector.shape_cast %broadcast_in_dim3A_1 : vector<16xf32> to vector<1x16xf32>
    tpu.vector_store %arg10[%swap3A_92, %swap3A_93], %swap3A_96 {strides = array<i32>} : memref<8x128xf32, #tpu.memory_space<vmem>>, vector<1x16xf32>,
    %swap3A_97 = arith.constant 2 : i32
    %swap3A_98 = arith.index_cast %swap3A_97 : i32 to index
    %swap3A_99 = arith.constant 0 : index
    %swap3A_100 = tpu.vector_load %arg10[%swap3A_98, %swap3A_99] {strides = array<i32>} : memref<8x128xf32, #tpu.memory_space<vmem>>, vector<1x16xf32>,
    %swap3A_101 = vector.shape_cast %swap3A_100 : vector<1x16xf32> to vector<16xf32>
    %swap3A_102 = vector.shape_cast %broadcast_in_dim3A_1 : vector<16xf32> to vector<1x16xf32>
    tpu.vector_store %arg10[%swap3A_98, %swap3A_99], %swap3A_102 {strides = array<i32>} : memref<8x128xf32, #tpu.memory_space<vmem>>, vector<1x16xf32>,
    %swap3A_103 = arith.constant 2 : i32
    %swap3A_104 = arith.index_cast %swap3A_103 : i32 to index
    %swap3A_105 = arith.constant 16 : index
    %swap3A_106 = tpu.vector_load %arg10[%swap3A_104, %swap3A_105] {strides = array<i32>} : memref<8x128xf32, #tpu.memory_space<vmem>>, vector<1x16xf32>,
    %swap3A_107 = vector.shape_cast %swap3A_106 : vector<1x16xf32> to vector<16xf32>
    %swap3A_108 = vector.shape_cast %broadcast_in_dim3A_1 : vector<16xf32> to vector<1x16xf32>
    tpu.vector_store %arg10[%swap3A_104, %swap3A_105], %swap3A_108 {strides = array<i32>} : memref<8x128xf32, #tpu.memory_space<vmem>>, vector<1x16xf32>,
    %swap3A_109 = arith.constant 2 : i32
    %swap3A_110 = arith.index_cast %swap3A_109 : i32 to index
    %swap3A_111 = arith.constant 32 : index
    %swap3A_112 = tpu.vector_load %arg10[%swap3A_110, %swap3A_111] {strides = array<i32>} : memref<8x128xf32, #tpu.memory_space<vmem>>, vector<1x16xf32>,
    %swap3A_113 = vector.shape_cast %swap3A_112 : vector<1x16xf32> to vector<16xf32>
    %swap3A_114 = vector.shape_cast %broadcast_in_dim3A_1 : vector<16xf32> to vector<1x16xf32>
    tpu.vector_store %arg10[%swap3A_110, %swap3A_111], %swap3A_114 {strides = array<i32>} : memref<8x128xf32, #tpu.memory_space<vmem>>, vector<1x16xf32>,
    %swap3A_115 = arith.constant 2 : i32
    %swap3A_116 = arith.index_cast %swap3A_115 : i32 to index
    %swap3A_117 = arith.constant 48 : index
    %swap3A_118 = tpu.vector_load %arg10[%swap3A_116, %swap3A_117] {strides = array<i32>} : memref<8x128xf32, #tpu.memory_space<vmem>>, vector<1x16xf32>,
    %swap3A_119 = vector.shape_cast %swap3A_118 : vector<1x16xf32> to vector<16xf32>
    %swap3A_120 = vector.shape_cast %broadcast_in_dim3A_1 : vector<16xf32> to vector<1x16xf32>
    tpu.vector_store %arg10[%swap3A_116, %swap3A_117], %swap3A_120 {strides = array<i32>} : memref<8x128xf32, #tpu.memory_space<vmem>>, vector<1x16xf32>,
    %swap3A_121 = arith.constant 2 : i32
    %swap3A_122 = arith.index_cast %swap3A_121 : i32 to index
    %swap3A_123 = arith.constant 64 : index
    %swap3A_124 = tpu.vector_load %arg10[%swap3A_122, %swap3A_123] {strides = array<i32>} : memref<8x128xf32, #tpu.memory_space<vmem>>, vector<1x16xf32>,
    %swap3A_125 = vector.shape_cast %swap3A_124 : vector<1x16xf32> to vector<16xf32>
    %swap3A_126 = vector.shape_cast %broadcast_in_dim3A_1 : vector<16xf32> to vector<1x16xf32>
    tpu.vector_store %arg10[%swap3A_122, %swap3A_123], %swap3A_126 {strides = array<i32>} : memref<8x128xf32, #tpu.memory_space<vmem>>, vector<1x16xf32>,
    %swap3A_127 = arith.constant 2 : i32
    %swap3A_128 = arith.index_cast %swap3A_127 : i32 to index
    %swap3A_129 = arith.constant 80 : index
    %swap3A_130 = tpu.vector_load %arg10[%swap3A_128, %swap3A_129] {strides = array<i32>} : memref<8x128xf32, #tpu.memory_space<vmem>>, vector<1x16xf32>,
    %swap3A_131 = vector.shape_cast %swap3A_130 : vector<1x16xf32> to vector<16xf32>
    %swap3A_132 = vector.shape_cast %broadcast_in_dim3A_1 : vector<16xf32> to vector<1x16xf32>
    tpu.vector_store %arg10[%swap3A_128, %swap3A_129], %swap3A_132 {strides = array<i32>} : memref<8x128xf32, #tpu.memory_space<vmem>>, vector<1x16xf32>,
    %swap3A_133 = arith.constant 2 : i32
    %swap3A_134 = arith.index_cast %swap3A_133 : i32 to index
    %swap3A_135 = arith.constant 96 : index
    %swap3A_136 = tpu.vector_load %arg10[%swap3A_134, %swap3A_135] {strides = array<i32>} : memref<8x128xf32, #tpu.memory_space<vmem>>, vector<1x16xf32>,
    %swap3A_137 = vector.shape_cast %swap3A_136 : vector<1x16xf32> to vector<16xf32>
    %swap3A_138 = vector.shape_cast %broadcast_in_dim3A_1 : vector<16xf32> to vector<1x16xf32>
    tpu.vector_store %arg10[%swap3A_134, %swap3A_135], %swap3A_138 {strides = array<i32>} : memref<8x128xf32, #tpu.memory_space<vmem>>, vector<1x16xf32>,
    %swap3A_139 = arith.constant 2 : i32
    %swap3A_140 = arith.index_cast %swap3A_139 : i32 to index
    %swap3A_141 = arith.constant 112 : index
    %swap3A_142 = tpu.vector_load %arg10[%swap3A_140, %swap3A_141] {strides = array<i32>} : memref<8x128xf32, #tpu.memory_space<vmem>>, vector<1x16xf32>,
    %swap3A_143 = vector.shape_cast %swap3A_142 : vector<1x16xf32> to vector<16xf32>
    %swap3A_144 = vector.shape_cast %broadcast_in_dim3A_1 : vector<16xf32> to vector<1x16xf32>
    tpu.vector_store %arg10[%swap3A_140, %swap3A_141], %swap3A_144 {strides = array<i32>} : memref<8x128xf32, #tpu.memory_space<vmem>>, vector<1x16xf32>,
    %swap3A_145 = arith.constant 3 : i32
    %swap3A_146 = arith.index_cast %swap3A_145 : i32 to index
    %swap3A_147 = arith.constant 0 : index
    %swap3A_148 = tpu.vector_load %arg10[%swap3A_146, %swap3A_147] {strides = array<i32>} : memref<8x128xf32, #tpu.memory_space<vmem>>, vector<1x16xf32>,
    %swap3A_149 = vector.shape_cast %swap3A_148 : vector<1x16xf32> to vector<16xf32>
    %swap3A_150 = vector.shape_cast %broadcast_in_dim3A_1 : vector<16xf32> to vector<1x16xf32>
    tpu.vector_store %arg10[%swap3A_146, %swap3A_147], %swap3A_150 {strides = array<i32>} : memref<8x128xf32, #tpu.memory_space<vmem>>, vector<1x16xf32>,
    %swap3A_151 = arith.constant 3 : i32
    %swap3A_152 = arith.index_cast %swap3A_151 : i32 to index
    %swap3A_153 = arith.constant 16 : index
    %swap3A_154 = tpu.vector_load %arg10[%swap3A_152, %swap3A_153] {strides = array<i32>} : memref<8x128xf32, #tpu.memory_space<vmem>>, vector<1x16xf32>,
    %swap3A_155 = vector.shape_cast %swap3A_154 : vector<1x16xf32> to vector<16xf32>
    %swap3A_156 = vector.shape_cast %broadcast_in_dim3A_1 : vector<16xf32> to vector<1x16xf32>
    tpu.vector_store %arg10[%swap3A_152, %swap3A_153], %swap3A_156 {strides = array<i32>} : memref<8x128xf32, #tpu.memory_space<vmem>>, vector<1x16xf32>,
    %swap3A_157 = arith.constant 3 : i32
    %swap3A_158 = arith.index_cast %swap3A_157 : i32 to index
    %swap3A_159 = arith.constant 32 : index
    %swap3A_160 = tpu.vector_load %arg10[%swap3A_158, %swap3A_159] {strides = array<i32>} : memref<8x128xf32, #tpu.memory_space<vmem>>, vector<1x16xf32>,
    %swap3A_161 = vector.shape_cast %swap3A_160 : vector<1x16xf32> to vector<16xf32>
    %swap3A_162 = vector.shape_cast %broadcast_in_dim3A_1 : vector<16xf32> to vector<1x16xf32>
    tpu.vector_store %arg10[%swap3A_158, %swap3A_159], %swap3A_162 {strides = array<i32>} : memref<8x128xf32, #tpu.memory_space<vmem>>, vector<1x16xf32>,
    %swap3A_163 = arith.constant 3 : i32
    %swap3A_164 = arith.index_cast %swap3A_163 : i32 to index
    %swap3A_165 = arith.constant 48 : index
    %swap3A_166 = tpu.vector_load %arg10[%swap3A_164, %swap3A_165] {strides = array<i32>} : memref<8x128xf32, #tpu.memory_space<vmem>>, vector<1x16xf32>,
    %swap3A_167 = vector.shape_cast %swap3A_166 : vector<1x16xf32> to vector<16xf32>
    %swap3A_168 = vector.shape_cast %broadcast_in_dim3A_1 : vector<16xf32> to vector<1x16xf32>
    tpu.vector_store %arg10[%swap3A_164, %swap3A_165], %swap3A_168 {strides = array<i32>} : memref<8x128xf32, #tpu.memory_space<vmem>>, vector<1x16xf32>,
    %swap3A_169 = arith.constant 3 : i32
    %swap3A_170 = arith.index_cast %swap3A_169 : i32 to index
    %swap3A_171 = arith.constant 64 : index
    %swap3A_172 = tpu.vector_load %arg10[%swap3A_170, %swap3A_171] {strides = array<i32>} : memref<8x128xf32, #tpu.memory_space<vmem>>, vector<1x16xf32>,
    %swap3A_173 = vector.shape_cast %swap3A_172 : vector<1x16xf32> to vector<16xf32>
    %swap3A_174 = vector.shape_cast %broadcast_in_dim3A_1 : vector<16xf32> to vector<1x16xf32>
    tpu.vector_store %arg10[%swap3A_170, %swap3A_171], %swap3A_174 {strides = array<i32>} : memref<8x128xf32, #tpu.memory_space<vmem>>, vector<1x16xf32>,
    %swap3A_175 = arith.constant 3 : i32
    %swap3A_176 = arith.index_cast %swap3A_175 : i32 to index
    %swap3A_177 = arith.constant 80 : index
    %swap3A_178 = tpu.vector_load %arg10[%swap3A_176, %swap3A_177] {strides = array<i32>} : memref<8x128xf32, #tpu.memory_space<vmem>>, vector<1x16xf32>,
    %swap3A_179 = vector.shape_cast %swap3A_178 : vector<1x16xf32> to vector<16xf32>
    %swap3A_180 = vector.shape_cast %broadcast_in_dim3A_1 : vector<16xf32> to vector<1x16xf32>
    tpu.vector_store %arg10[%swap3A_176, %swap3A_177], %swap3A_180 {strides = array<i32>} : memref<8x128xf32, #tpu.memory_space<vmem>>, vector<1x16xf32>,
    %swap3A_181 = arith.constant 3 : i32
    %swap3A_182 = arith.index_cast %swap3A_181 : i32 to index
    %swap3A_183 = arith.constant 96 : index
    %swap3A_184 = tpu.vector_load %arg10[%swap3A_182, %swap3A_183] {strides = array<i32>} : memref<8x128xf32, #tpu.memory_space<vmem>>, vector<1x16xf32>,
    %swap3A_185 = vector.shape_cast %swap3A_184 : vector<1x16xf32> to vector<16xf32>
    %swap3A_186 = vector.shape_cast %broadcast_in_dim3A_1 : vector<16xf32> to vector<1x16xf32>
    tpu.vector_store %arg10[%swap3A_182, %swap3A_183], %swap3A_186 {strides = array<i32>} : memref<8x128xf32, #tpu.memory_space<vmem>>, vector<1x16xf32>,
    %swap3A_187 = arith.constant 3 : i32
    %swap3A_188 = arith.index_cast %swap3A_187 : i32 to index
    %swap3A_189 = arith.constant 112 : index
    %swap3A_190 = tpu.vector_load %arg10[%swap3A_188, %swap3A_189] {strides = array<i32>} : memref<8x128xf32, #tpu.memory_space<vmem>>, vector<1x16xf32>,
    %swap3A_191 = vector.shape_cast %swap3A_190 : vector<1x16xf32> to vector<16xf32>
    %swap3A_192 = vector.shape_cast %broadcast_in_dim3A_1 : vector<16xf32> to vector<1x16xf32>
    tpu.vector_store %arg10[%swap3A_188, %swap3A_189], %swap3A_192 {strides = array<i32>} : memref<8x128xf32, #tpu.memory_space<vmem>>, vector<1x16xf32>,
    %swap3A_193 = arith.constant 4 : i32
    %swap3A_194 = arith.index_cast %swap3A_193 : i32 to index
    %swap3A_195 = arith.constant 0 : index
    %swap3A_196 = tpu.vector_load %arg10[%swap3A_194, %swap3A_195] {strides = array<i32>} : memref<8x128xf32, #tpu.memory_space<vmem>>, vector<1x16xf32>,
    %swap3A_197 = vector.shape_cast %swap3A_196 : vector<1x16xf32> to vector<16xf32>
    %swap3A_198 = vector.shape_cast %broadcast_in_dim3A_1 : vector<16xf32> to vector<1x16xf32>
    tpu.vector_store %arg10[%swap3A_194, %swap3A_195], %swap3A_198 {strides = array<i32>} : memref<8x128xf32, #tpu.memory_space<vmem>>, vector<1x16xf32>,
    %swap3A_199 = arith.constant 4 : i32
    %swap3A_200 = arith.index_cast %swap3A_199 : i32 to index
    %swap3A_201 = arith.constant 16 : index
    %swap3A_202 = tpu.vector_load %arg10[%swap3A_200, %swap3A_201] {strides = array<i32>} : memref<8x128xf32, #tpu.memory_space<vmem>>, vector<1x16xf32>,
    %swap3A_203 = vector.shape_cast %swap3A_202 : vector<1x16xf32> to vector<16xf32>
    %swap3A_204 = vector.shape_cast %broadcast_in_dim3A_1 : vector<16xf32> to vector<1x16xf32>
    tpu.vector_store %arg10[%swap3A_200, %swap3A_201], %swap3A_204 {strides = array<i32>} : memref<8x128xf32, #tpu.memory_space<vmem>>, vector<1x16xf32>,
    %swap3A_205 = arith.constant 4 : i32
    %swap3A_206 = arith.index_cast %swap3A_205 : i32 to index
    %swap3A_207 = arith.constant 32 : index
    %swap3A_208 = tpu.vector_load %arg10[%swap3A_206, %swap3A_207] {strides = array<i32>} : memref<8x128xf32, #tpu.memory_space<vmem>>, vector<1x16xf32>,
    %swap3A_209 = vector.shape_cast %swap3A_208 : vector<1x16xf32> to vector<16xf32>
    %swap3A_210 = vector.shape_cast %broadcast_in_dim3A_1 : vector<16xf32> to vector<1x16xf32>
    tpu.vector_store %arg10[%swap3A_206, %swap3A_207], %swap3A_210 {strides = array<i32>} : memref<8x128xf32, #tpu.memory_space<vmem>>, vector<1x16xf32>,
    %swap3A_211 = arith.constant 4 : i32
    %swap3A_212 = arith.index_cast %swap3A_211 : i32 to index
    %swap3A_213 = arith.constant 48 : index
    %swap3A_214 = tpu.vector_load %arg10[%swap3A_212, %swap3A_213] {strides = array<i32>} : memref<8x128xf32, #tpu.memory_space<vmem>>, vector<1x16xf32>,
    %swap3A_215 = vector.shape_cast %swap3A_214 : vector<1x16xf32> to vector<16xf32>
    %swap3A_216 = vector.shape_cast %broadcast_in_dim3A_1 : vector<16xf32> to vector<1x16xf32>
    tpu.vector_store %arg10[%swap3A_212, %swap3A_213], %swap3A_216 {strides = array<i32>} : memref<8x128xf32, #tpu.memory_space<vmem>>, vector<1x16xf32>,
    %swap3A_217 = arith.constant 4 : i32
    %swap3A_218 = arith.index_cast %swap3A_217 : i32 to index
    %swap3A_219 = arith.constant 64 : index
    %swap3A_220 = tpu.vector_load %arg10[%swap3A_218, %swap3A_219] {strides = array<i32>} : memref<8x128xf32, #tpu.memory_space<vmem>>, vector<1x16xf32>,
    %swap3A_221 = vector.shape_cast %swap3A_220 : vector<1x16xf32> to vector<16xf32>
    %swap3A_222 = vector.shape_cast %broadcast_in_dim3A_1 : vector<16xf32> to vector<1x16xf32>
    tpu.vector_store %arg10[%swap3A_218, %swap3A_219], %swap3A_222 {strides = array<i32>} : memref<8x128xf32, #tpu.memory_space<vmem>>, vector<1x16xf32>,
    %swap3A_223 = arith.constant 4 : i32
    %swap3A_224 = arith.index_cast %swap3A_223 : i32 to index
    %swap3A_225 = arith.constant 80 : index
    %swap3A_226 = tpu.vector_load %arg10[%swap3A_224, %swap3A_225] {strides = array<i32>} : memref<8x128xf32, #tpu.memory_space<vmem>>, vector<1x16xf32>,
    %swap3A_227 = vector.shape_cast %swap3A_226 : vector<1x16xf32> to vector<16xf32>
    %swap3A_228 = vector.shape_cast %broadcast_in_dim3A_1 : vector<16xf32> to vector<1x16xf32>
    tpu.vector_store %arg10[%swap3A_224, %swap3A_225], %swap3A_228 {strides = array<i32>} : memref<8x128xf32, #tpu.memory_space<vmem>>, vector<1x16xf32>,
    %swap3A_229 = arith.constant 4 : i32
    %swap3A_230 = arith.index_cast %swap3A_229 : i32 to index
    %swap3A_231 = arith.constant 96 : index
    %swap3A_232 = tpu.vector_load %arg10[%swap3A_230, %swap3A_231] {strides = array<i32>} : memref<8x128xf32, #tpu.memory_space<vmem>>, vector<1x16xf32>,
    %swap3A_233 = vector.shape_cast %swap3A_232 : vector<1x16xf32> to vector<16xf32>
    %swap3A_234 = vector.shape_cast %broadcast_in_dim3A_1 : vector<16xf32> to vector<1x16xf32>
    tpu.vector_store %arg10[%swap3A_230, %swap3A_231], %swap3A_234 {strides = array<i32>} : memref<8x128xf32, #tpu.memory_space<vmem>>, vector<1x16xf32>,
    %swap3A_235 = arith.constant 4 : i32
    %swap3A_236 = arith.index_cast %swap3A_235 : i32 to index
    %swap3A_237 = arith.constant 112 : index
    %swap3A_238 = tpu.vector_load %arg10[%swap3A_236, %swap3A_237] {strides = array<i32>} : memref<8x128xf32, #tpu.memory_space<vmem>>, vector<1x16xf32>,
    %swap3A_239 = vector.shape_cast %swap3A_238 : vector<1x16xf32> to vector<16xf32>
    %swap3A_240 = vector.shape_cast %broadcast_in_dim3A_1 : vector<16xf32> to vector<1x16xf32>
    tpu.vector_store %arg10[%swap3A_236, %swap3A_237], %swap3A_240 {strides = array<i32>} : memref<8x128xf32, #tpu.memory_space<vmem>>, vector<1x16xf32>,
    %swap3A_241 = arith.constant 5 : i32
    %swap3A_242 = arith.index_cast %swap3A_241 : i32 to index
    %swap3A_243 = arith.constant 0 : index
    %swap3A_244 = tpu.vector_load %arg10[%swap3A_242, %swap3A_243] {strides = array<i32>} : memref<8x128xf32, #tpu.memory_space<vmem>>, vector<1x16xf32>,
    %swap3A_245 = vector.shape_cast %swap3A_244 : vector<1x16xf32> to vector<16xf32>
    %swap3A_246 = vector.shape_cast %broadcast_in_dim3A_1 : vector<16xf32> to vector<1x16xf32>
    tpu.vector_store %arg10[%swap3A_242, %swap3A_243], %swap3A_246 {strides = array<i32>} : memref<8x128xf32, #tpu.memory_space<vmem>>, vector<1x16xf32>,
    %swap3A_247 = arith.constant 5 : i32
    %swap3A_248 = arith.index_cast %swap3A_247 : i32 to index
    %swap3A_249 = arith.constant 16 : index
    %swap3A_250 = tpu.vector_load %arg10[%swap3A_248, %swap3A_249] {strides = array<i32>} : memref<8x128xf32, #tpu.memory_space<vmem>>, vector<1x16xf32>,
    %swap3A_251 = vector.shape_cast %swap3A_250 : vector<1x16xf32> to vector<16xf32>
    %swap3A_252 = vector.shape_cast %broadcast_in_dim3A_1 : vector<16xf32> to vector<1x16xf32>
    tpu.vector_store %arg10[%swap3A_248, %swap3A_249], %swap3A_252 {strides = array<i32>} : memref<8x128xf32, #tpu.memory_space<vmem>>, vector<1x16xf32>,
    %swap3A_253 = arith.constant 5 : i32
    %swap3A_254 = arith.index_cast %swap3A_253 : i32 to index
    %swap3A_255 = arith.constant 32 : index
    %swap3A_256 = tpu.vector_load %arg10[%swap3A_254, %swap3A_255] {strides = array<i32>} : memref<8x128xf32, #tpu.memory_space<vmem>>, vector<1x16xf32>,
    %swap3A_257 = vector.shape_cast %swap3A_256 : vector<1x16xf32> to vector<16xf32>
    %swap3A_258 = vector.shape_cast %broadcast_in_dim3A_1 : vector<16xf32> to vector<1x16xf32>
    tpu.vector_store %arg10[%swap3A_254, %swap3A_255], %swap3A_258 {strides = array<i32>} : memref<8x128xf32, #tpu.memory_space<vmem>>, vector<1x16xf32>,
    %swap3A_259 = arith.constant 5 : i32
    %swap3A_260 = arith.index_cast %swap3A_259 : i32 to index
    %swap3A_261 = arith.constant 48 : index
    %swap3A_262 = tpu.vector_load %arg10[%swap3A_260, %swap3A_261] {strides = array<i32>} : memref<8x128xf32, #tpu.memory_space<vmem>>, vector<1x16xf32>,
    %swap3A_263 = vector.shape_cast %swap3A_262 : vector<1x16xf32> to vector<16xf32>
    %swap3A_264 = vector.shape_cast %broadcast_in_dim3A_1 : vector<16xf32> to vector<1x16xf32>
    tpu.vector_store %arg10[%swap3A_260, %swap3A_261], %swap3A_264 {strides = array<i32>} : memref<8x128xf32, #tpu.memory_space<vmem>>, vector<1x16xf32>,
    %swap3A_265 = arith.constant 5 : i32
    %swap3A_266 = arith.index_cast %swap3A_265 : i32 to index
    %swap3A_267 = arith.constant 64 : index
    %swap3A_268 = tpu.vector_load %arg10[%swap3A_266, %swap3A_267] {strides = array<i32>} : memref<8x128xf32, #tpu.memory_space<vmem>>, vector<1x16xf32>,
    %swap3A_269 = vector.shape_cast %swap3A_268 : vector<1x16xf32> to vector<16xf32>
    %swap3A_270 = vector.shape_cast %broadcast_in_dim3A_1 : vector<16xf32> to vector<1x16xf32>
    tpu.vector_store %arg10[%swap3A_266, %swap3A_267], %swap3A_270 {strides = array<i32>} : memref<8x128xf32, #tpu.memory_space<vmem>>, vector<1x16xf32>,
    %swap3A_271 = arith.constant 5 : i32
    %swap3A_272 = arith.index_cast %swap3A_271 : i32 to index
    %swap3A_273 = arith.constant 80 : index
    %swap3A_274 = tpu.vector_load %arg10[%swap3A_272, %swap3A_273] {strides = array<i32>} : memref<8x128xf32, #tpu.memory_space<vmem>>, vector<1x16xf32>,
    %swap3A_275 = vector.shape_cast %swap3A_274 : vector<1x16xf32> to vector<16xf32>
    %swap3A_276 = vector.shape_cast %broadcast_in_dim3A_1 : vector<16xf32> to vector<1x16xf32>
    tpu.vector_store %arg10[%swap3A_272, %swap3A_273], %swap3A_276 {strides = array<i32>} : memref<8x128xf32, #tpu.memory_space<vmem>>, vector<1x16xf32>,
    %swap3A_277 = arith.constant 5 : i32
    %swap3A_278 = arith.index_cast %swap3A_277 : i32 to index
    %swap3A_279 = arith.constant 96 : index
    %swap3A_280 = tpu.vector_load %arg10[%swap3A_278, %swap3A_279] {strides = array<i32>} : memref<8x128xf32, #tpu.memory_space<vmem>>, vector<1x16xf32>,
    %swap3A_281 = vector.shape_cast %swap3A_280 : vector<1x16xf32> to vector<16xf32>
    %swap3A_282 = vector.shape_cast %broadcast_in_dim3A_1 : vector<16xf32> to vector<1x16xf32>
    tpu.vector_store %arg10[%swap3A_278, %swap3A_279], %swap3A_282 {strides = array<i32>} : memref<8x128xf32, #tpu.memory_space<vmem>>, vector<1x16xf32>,
    %swap3A_283 = arith.constant 5 : i32
    %swap3A_284 = arith.index_cast %swap3A_283 : i32 to index
    %swap3A_285 = arith.constant 112 : index
    %swap3A_286 = tpu.vector_load %arg10[%swap3A_284, %swap3A_285] {strides = array<i32>} : memref<8x128xf32, #tpu.memory_space<vmem>>, vector<1x16xf32>,
    %swap3A_287 = vector.shape_cast %swap3A_286 : vector<1x16xf32> to vector<16xf32>
    %swap3A_288 = vector.shape_cast %broadcast_in_dim3A_1 : vector<16xf32> to vector<1x16xf32>
    tpu.vector_store %arg10[%swap3A_284, %swap3A_285], %swap3A_288 {strides = array<i32>} : memref<8x128xf32, #tpu.memory_space<vmem>>, vector<1x16xf32>,
    %swap3A_289 = arith.constant 6 : i32
    %swap3A_290 = arith.index_cast %swap3A_289 : i32 to index
    %swap3A_291 = arith.constant 0 : index
    %swap3A_292 = tpu.vector_load %arg10[%swap3A_290, %swap3A_291] {strides = array<i32>} : memref<8x128xf32, #tpu.memory_space<vmem>>, vector<1x16xf32>,
    %swap3A_293 = vector.shape_cast %swap3A_292 : vector<1x16xf32> to vector<16xf32>
    %swap3A_294 = vector.shape_cast %broadcast_in_dim3A_1 : vector<16xf32> to vector<1x16xf32>
    tpu.vector_store %arg10[%swap3A_290, %swap3A_291], %swap3A_294 {strides = array<i32>} : memref<8x128xf32, #tpu.memory_space<vmem>>, vector<1x16xf32>,
    %swap3A_295 = arith.constant 6 : i32
    %swap3A_296 = arith.index_cast %swap3A_295 : i32 to index
    %swap3A_297 = arith.constant 16 : index
    %swap3A_298 = tpu.vector_load %arg10[%swap3A_296, %swap3A_297] {strides = array<i32>} : memref<8x128xf32, #tpu.memory_space<vmem>>, vector<1x16xf32>,
    %swap3A_299 = vector.shape_cast %swap3A_298 : vector<1x16xf32> to vector<16xf32>
    %swap3A_300 = vector.shape_cast %broadcast_in_dim3A_1 : vector<16xf32> to vector<1x16xf32>
    tpu.vector_store %arg10[%swap3A_296, %swap3A_297], %swap3A_300 {strides = array<i32>} : memref<8x128xf32, #tpu.memory_space<vmem>>, vector<1x16xf32>,
    %swap3A_301 = arith.constant 6 : i32
    %swap3A_302 = arith.index_cast %swap3A_301 : i32 to index
    %swap3A_303 = arith.constant 32 : index
    %swap3A_304 = tpu.vector_load %arg10[%swap3A_302, %swap3A_303] {strides = array<i32>} : memref<8x128xf32, #tpu.memory_space<vmem>>, vector<1x16xf32>,
    %swap3A_305 = vector.shape_cast %swap3A_304 : vector<1x16xf32> to vector<16xf32>
    %swap3A_306 = vector.shape_cast %broadcast_in_dim3A_1 : vector<16xf32> to vector<1x16xf32>
    tpu.vector_store %arg10[%swap3A_302, %swap3A_303], %swap3A_306 {strides = array<i32>} : memref<8x128xf32, #tpu.memory_space<vmem>>, vector<1x16xf32>,
    %swap3A_307 = arith.constant 6 : i32
    %swap3A_308 = arith.index_cast %swap3A_307 : i32 to index
    %swap3A_309 = arith.constant 48 : index
    %swap3A_310 = tpu.vector_load %arg10[%swap3A_308, %swap3A_309] {strides = array<i32>} : memref<8x128xf32, #tpu.memory_space<vmem>>, vector<1x16xf32>,
    %swap3A_311 = vector.shape_cast %swap3A_310 : vector<1x16xf32> to vector<16xf32>
    %swap3A_312 = vector.shape_cast %broadcast_in_dim3A_1 : vector<16xf32> to vector<1x16xf32>
    tpu.vector_store %arg10[%swap3A_308, %swap3A_309], %swap3A_312 {strides = array<i32>} : memref<8x128xf32, #tpu.memory_space<vmem>>, vector<1x16xf32>,
    %swap3A_313 = arith.constant 6 : i32
    %swap3A_314 = arith.index_cast %swap3A_313 : i32 to index
    %swap3A_315 = arith.constant 64 : index
    %swap3A_316 = tpu.vector_load %arg10[%swap3A_314, %swap3A_315] {strides = array<i32>} : memref<8x128xf32, #tpu.memory_space<vmem>>, vector<1x16xf32>,
    %swap3A_317 = vector.shape_cast %swap3A_316 : vector<1x16xf32> to vector<16xf32>
    %swap3A_318 = vector.shape_cast %broadcast_in_dim3A_1 : vector<16xf32> to vector<1x16xf32>
    tpu.vector_store %arg10[%swap3A_314, %swap3A_315], %swap3A_318 {strides = array<i32>} : memref<8x128xf32, #tpu.memory_space<vmem>>, vector<1x16xf32>,
    %swap3A_319 = arith.constant 6 : i32
    %swap3A_320 = arith.index_cast %swap3A_319 : i32 to index
    %swap3A_321 = arith.constant 80 : index
    %swap3A_322 = tpu.vector_load %arg10[%swap3A_320, %swap3A_321] {strides = array<i32>} : memref<8x128xf32, #tpu.memory_space<vmem>>, vector<1x16xf32>,
    %swap3A_323 = vector.shape_cast %swap3A_322 : vector<1x16xf32> to vector<16xf32>
    %swap3A_324 = vector.shape_cast %broadcast_in_dim3A_1 : vector<16xf32> to vector<1x16xf32>
    tpu.vector_store %arg10[%swap3A_320, %swap3A_321], %swap3A_324 {strides = array<i32>} : memref<8x128xf32, #tpu.memory_space<vmem>>, vector<1x16xf32>,
    %swap3A_325 = arith.constant 6 : i32
    %swap3A_326 = arith.index_cast %swap3A_325 : i32 to index
    %swap3A_327 = arith.constant 96 : index
    %swap3A_328 = tpu.vector_load %arg10[%swap3A_326, %swap3A_327] {strides = array<i32>} : memref<8x128xf32, #tpu.memory_space<vmem>>, vector<1x16xf32>,
    %swap3A_329 = vector.shape_cast %swap3A_328 : vector<1x16xf32> to vector<16xf32>
    %swap3A_330 = vector.shape_cast %broadcast_in_dim3A_1 : vector<16xf32> to vector<1x16xf32>
    tpu.vector_store %arg10[%swap3A_326, %swap3A_327], %swap3A_330 {strides = array<i32>} : memref<8x128xf32, #tpu.memory_space<vmem>>, vector<1x16xf32>,
    %swap3A_331 = arith.constant 6 : i32
    %swap3A_332 = arith.index_cast %swap3A_331 : i32 to index
    %swap3A_333 = arith.constant 112 : index
    %swap3A_334 = tpu.vector_load %arg10[%swap3A_332, %swap3A_333] {strides = array<i32>} : memref<8x128xf32, #tpu.memory_space<vmem>>, vector<1x16xf32>,
    %swap3A_335 = vector.shape_cast %swap3A_334 : vector<1x16xf32> to vector<16xf32>
    %swap3A_336 = vector.shape_cast %broadcast_in_dim3A_1 : vector<16xf32> to vector<1x16xf32>
    tpu.vector_store %arg10[%swap3A_332, %swap3A_333], %swap3A_336 {strides = array<i32>} : memref<8x128xf32, #tpu.memory_space<vmem>>, vector<1x16xf32>,
    %swap3A_337 = arith.constant 7 : i32
    %swap3A_338 = arith.index_cast %swap3A_337 : i32 to index
    %swap3A_339 = arith.constant 0 : index
    %swap3A_340 = tpu.vector_load %arg10[%swap3A_338, %swap3A_339] {strides = array<i32>} : memref<8x128xf32, #tpu.memory_space<vmem>>, vector<1x16xf32>,
    %swap3A_341 = vector.shape_cast %swap3A_340 : vector<1x16xf32> to vector<16xf32>
    %swap3A_342 = vector.shape_cast %broadcast_in_dim3A_1 : vector<16xf32> to vector<1x16xf32>
    tpu.vector_store %arg10[%swap3A_338, %swap3A_339], %swap3A_342 {strides = array<i32>} : memref<8x128xf32, #tpu.memory_space<vmem>>, vector<1x16xf32>,
    %swap3A_343 = arith.constant 7 : i32
    %swap3A_344 = arith.index_cast %swap3A_343 : i32 to index
    %swap3A_345 = arith.constant 16 : index
    %swap3A_346 = tpu.vector_load %arg10[%swap3A_344, %swap3A_345] {strides = array<i32>} : memref<8x128xf32, #tpu.memory_space<vmem>>, vector<1x16xf32>,
    %swap3A_347 = vector.shape_cast %swap3A_346 : vector<1x16xf32> to vector<16xf32>
    %swap3A_348 = vector.shape_cast %broadcast_in_dim3A_1 : vector<16xf32> to vector<1x16xf32>
    tpu.vector_store %arg10[%swap3A_344, %swap3A_345], %swap3A_348 {strides = array<i32>} : memref<8x128xf32, #tpu.memory_space<vmem>>, vector<1x16xf32>,
    %swap3A_349 = arith.constant 7 : i32
    %swap3A_350 = arith.index_cast %swap3A_349 : i32 to index
    %swap3A_351 = arith.constant 32 : index
    %swap3A_352 = tpu.vector_load %arg10[%swap3A_350, %swap3A_351] {strides = array<i32>} : memref<8x128xf32, #tpu.memory_space<vmem>>, vector<1x16xf32>,
    %swap3A_353 = vector.shape_cast %swap3A_352 : vector<1x16xf32> to vector<16xf32>
    %swap3A_354 = vector.shape_cast %broadcast_in_dim3A_1 : vector<16xf32> to vector<1x16xf32>
    tpu.vector_store %arg10[%swap3A_350, %swap3A_351], %swap3A_354 {strides = array<i32>} : memref<8x128xf32, #tpu.memory_space<vmem>>, vector<1x16xf32>,
    %swap3A_355 = arith.constant 7 : i32
    %swap3A_356 = arith.index_cast %swap3A_355 : i32 to index
    %swap3A_357 = arith.constant 48 : index
    %swap3A_358 = tpu.vector_load %arg10[%swap3A_356, %swap3A_357] {strides = array<i32>} : memref<8x128xf32, #tpu.memory_space<vmem>>, vector<1x16xf32>,
    %swap3A_359 = vector.shape_cast %swap3A_358 : vector<1x16xf32> to vector<16xf32>
    %swap3A_360 = vector.shape_cast %broadcast_in_dim3A_1 : vector<16xf32> to vector<1x16xf32>
    tpu.vector_store %arg10[%swap3A_356, %swap3A_357], %swap3A_360 {strides = array<i32>} : memref<8x128xf32, #tpu.memory_space<vmem>>, vector<1x16xf32>,
    %swap3A_361 = arith.constant 7 : i32
    %swap3A_362 = arith.index_cast %swap3A_361 : i32 to index
    %swap3A_363 = arith.constant 64 : index
    %swap3A_364 = tpu.vector_load %arg10[%swap3A_362, %swap3A_363] {strides = array<i32>} : memref<8x128xf32, #tpu.memory_space<vmem>>, vector<1x16xf32>,
    %swap3A_365 = vector.shape_cast %swap3A_364 : vector<1x16xf32> to vector<16xf32>
    %swap3A_366 = vector.shape_cast %broadcast_in_dim3A_1 : vector<16xf32> to vector<1x16xf32>
    tpu.vector_store %arg10[%swap3A_362, %swap3A_363], %swap3A_366 {strides = array<i32>} : memref<8x128xf32, #tpu.memory_space<vmem>>, vector<1x16xf32>,
    %swap3A_367 = arith.constant 7 : i32
    %swap3A_368 = arith.index_cast %swap3A_367 : i32 to index
    %swap3A_369 = arith.constant 80 : index
    %swap3A_370 = tpu.vector_load %arg10[%swap3A_368, %swap3A_369] {strides = array<i32>} : memref<8x128xf32, #tpu.memory_space<vmem>>, vector<1x16xf32>,
    %swap3A_371 = vector.shape_cast %swap3A_370 : vector<1x16xf32> to vector<16xf32>
    %swap3A_372 = vector.shape_cast %broadcast_in_dim3A_1 : vector<16xf32> to vector<1x16xf32>
    tpu.vector_store %arg10[%swap3A_368, %swap3A_369], %swap3A_372 {strides = array<i32>} : memref<8x128xf32, #tpu.memory_space<vmem>>, vector<1x16xf32>,
    %swap3A_373 = arith.constant 7 : i32
    %swap3A_374 = arith.index_cast %swap3A_373 : i32 to index
    %swap3A_375 = arith.constant 96 : index
    %swap3A_376 = tpu.vector_load %arg10[%swap3A_374, %swap3A_375] {strides = array<i32>} : memref<8x128xf32, #tpu.memory_space<vmem>>, vector<1x16xf32>,
    %swap3A_377 = vector.shape_cast %swap3A_376 : vector<1x16xf32> to vector<16xf32>
    %swap3A_378 = vector.shape_cast %broadcast_in_dim3A_1 : vector<16xf32> to vector<1x16xf32>
    tpu.vector_store %arg10[%swap3A_374, %swap3A_375], %swap3A_378 {strides = array<i32>} : memref<8x128xf32, #tpu.memory_space<vmem>>, vector<1x16xf32>,
    %swap3A_379 = arith.constant 7 : i32
    %swap3A_380 = arith.index_cast %swap3A_379 : i32 to index
    %swap3A_381 = arith.constant 112 : index
    %swap3A_382 = tpu.vector_load %arg10[%swap3A_380, %swap3A_381] {strides = array<i32>} : memref<8x128xf32, #tpu.memory_space<vmem>>, vector<1x16xf32>,
    %swap3A_383 = vector.shape_cast %swap3A_382 : vector<1x16xf32> to vector<16xf32>
    %swap3A_384 = vector.shape_cast %broadcast_in_dim3A_1 : vector<16xf32> to vector<1x16xf32>
    tpu.vector_store %arg10[%swap3A_380, %swap3A_381], %swap3A_384 {strides = array<i32>} : memref<8x128xf32, #tpu.memory_space<vmem>>, vector<1x16xf32>,
    %mul3A_385 = arith.constant 632 : i32
    %mul3A_386 = arith.muli %arg1, %mul3A_385 : i32
    %scan3A = arith.constant 0 : i32
    %scan3A_387 = arith.constant 79 : i32
    %scan3A_388 = arith.addi %scan3A, %scan3A_387 : i32
    %scan3A_389 = arith.constant 1 : i32
    scf.for %scan3A_429 = %scan3A to %scan3A_388 step %scan3A_389  : i32 {
      %mul3A_430 = arith.constant 1 : i32
      %mul3A_431 = arith.muli %scan3A_429, %mul3A_430 : i32
      %add3A_432 = arith.constant 0 : i32
      %add3A_433 = arith.addi %add3A_432, %mul3A_431 : i32
      %mul3A_434 = arith.constant 8 : i32
      %mul3A_435 = arith.muli %add3A_433, %mul3A_434 : i32
      %add3A_436 = arith.addi %mul3A_386, %mul3A_435 : i32
      "tpu.region"() ({
        %run_scoped3A = tpu.sem_alloc : memref<!tpu.dma_semaphore, #tpu.memory_space<semaphore_mem>>
        %dma_start3A_437 = arith.constant 0 : i32
        %dma_start3A_438 = tpu.memref_slice %arg11[%add3A_436, %dma_start3A_437] : memref<10112x128xf32, #tpu.memory_space<vmem_shared>> -> memref<8x128xf32, #tpu.memory_space<vmem_shared>>
        %dma_start3A_439 = arith.constant 0 : i32
        %dma_start3A_440 = tpu.memref_slice %arg11[%add3A_436, %dma_start3A_439] : memref<10112x128xf32, #tpu.memory_space<vmem_shared>> -> memref<8x128xf32, #tpu.memory_space<vmem_shared>>
        tpu.enqueue_dma source(%arg10 : memref<8x128xf32, #tpu.memory_space<vmem>>) target(%dma_start3A_440 : memref<8x128xf32, #tpu.memory_space<vmem_shared>>) target_semaphore(%run_scoped3A : memref<!tpu.dma_semaphore, #tpu.memory_space<semaphore_mem>>)
        %dma_wait3A = arith.constant 0 : i32
        %dma_wait3A_441 = tpu.memref_slice %arg11[%add3A_436, %dma_wait3A] : memref<10112x128xf32, #tpu.memory_space<vmem_shared>> -> memref<8x128xf32, #tpu.memory_space<vmem_shared>>
        %dma_wait3A_442 = arith.constant 0 : i32
        %dma_wait3A_443 = tpu.memref_slice %arg11[%add3A_436, %dma_wait3A_442] : memref<10112x128xf32, #tpu.memory_space<vmem_shared>> -> memref<8x128xf32, #tpu.memory_space<vmem_shared>>
        tpu.wait_dma2 semaphore(%run_scoped3A : memref<!tpu.dma_semaphore, #tpu.memory_space<semaphore_mem>>) src(%arg10 : memref<8x128xf32, #tpu.memory_space<vmem>>) dst(%dma_wait3A_443 : memref<8x128xf32, #tpu.memory_space<vmem_shared>>)
        tpu.yield
      }) : () -> ()
    }
    %scan3A_390 = arith.constant 79 : i32
    %barrier3A = arith.constant 0 : index
    tpu.barrier barrier_id(%barrier3A)
    "tpu.region"() ({
      %run_scoped3A = tpu.sem_alloc : memref<!tpu.dma_semaphore, #tpu.memory_space<semaphore_mem>>
      %dma_start3A_429 = arith.constant 0 : i32
      %dma_start3A_430 = arith.constant 0 : i32
      %dma_start3A_431 = tpu.memref_slice %arg3[%add3A, %dma_start3A_429, %dma_start3A_430] : memref<32x80x128xi32, #tpu.memory_space<hbm>> -> memref<1x40x128xi32, #tpu.memory_space<hbm>>
      %dma_start3A_432 = tpu.memref_squeeze %dma_start3A_431 : memref<1x40x128xi32, #tpu.memory_space<hbm>> -> memref<40x128xi32, #tpu.memory_space<hbm>>
      %dma_start3A_433 = arith.constant 0 : i32
      %dma_start3A_434 = arith.constant 0 : i32
      %dma_start3A_435 = tpu.memref_slice %arg3[%add3A, %dma_start3A_433, %dma_start3A_434] : memref<32x80x128xi32, #tpu.memory_space<hbm>> -> memref<1x40x128xi32, #tpu.memory_space<hbm>>
      %dma_start3A_436 = tpu.memref_squeeze %dma_start3A_435 : memref<1x40x128xi32, #tpu.memory_space<hbm>> -> memref<40x128xi32, #tpu.memory_space<hbm>>
      tpu.enqueue_dma source(%dma_start3A_436 : memref<40x128xi32, #tpu.memory_space<hbm>>) target(%arg6 : memref<40x128xi32, #tpu.memory_space<vmem>>) target_semaphore(%run_scoped3A : memref<!tpu.dma_semaphore, #tpu.memory_space<semaphore_mem>>)
      %dma_wait3A = arith.constant 0 : i32
      %dma_wait3A_437 = arith.constant 0 : i32
      %dma_wait3A_438 = tpu.memref_slice %arg3[%add3A, %dma_wait3A, %dma_wait3A_437] : memref<32x80x128xi32, #tpu.memory_space<hbm>> -> memref<1x40x128xi32, #tpu.memory_space<hbm>>
      %dma_wait3A_439 = tpu.memref_squeeze %dma_wait3A_438 : memref<1x40x128xi32, #tpu.memory_space<hbm>> -> memref<40x128xi32, #tpu.memory_space<hbm>>
      %dma_wait3A_440 = arith.constant 0 : i32
      %dma_wait3A_441 = arith.constant 0 : i32
      %dma_wait3A_442 = tpu.memref_slice %arg3[%add3A, %dma_wait3A_440, %dma_wait3A_441] : memref<32x80x128xi32, #tpu.memory_space<hbm>> -> memref<1x40x128xi32, #tpu.memory_space<hbm>>
      %dma_wait3A_443 = tpu.memref_squeeze %dma_wait3A_442 : memref<1x40x128xi32, #tpu.memory_space<hbm>> -> memref<40x128xi32, #tpu.memory_space<hbm>>
      tpu.wait_dma2 semaphore(%run_scoped3A : memref<!tpu.dma_semaphore, #tpu.memory_space<semaphore_mem>>) src(%dma_wait3A_443 : memref<40x128xi32, #tpu.memory_space<hbm>>) dst(%arg6 : memref<40x128xi32, #tpu.memory_space<vmem>>)
      tpu.yield
    }) : () -> ()
    "tpu.region"() ({
      %run_scoped3A = tpu.sem_alloc : memref<!tpu.dma_semaphore, #tpu.memory_space<semaphore_mem>>
      %dma_start3A_429 = arith.constant 0 : i32
      %dma_start3A_430 = arith.constant 0 : i32
      %dma_start3A_431 = tpu.memref_slice %arg4[%add3A, %dma_start3A_429, %dma_start3A_430] : memref<32x80x128xi32, #tpu.memory_space<hbm>> -> memref<1x40x128xi32, #tpu.memory_space<hbm>>
      %dma_start3A_432 = tpu.memref_squeeze %dma_start3A_431 : memref<1x40x128xi32, #tpu.memory_space<hbm>> -> memref<40x128xi32, #tpu.memory_space<hbm>>
      %dma_start3A_433 = arith.constant 0 : i32
      %dma_start3A_434 = arith.constant 0 : i32
      %dma_start3A_435 = tpu.memref_slice %arg4[%add3A, %dma_start3A_433, %dma_start3A_434] : memref<32x80x128xi32, #tpu.memory_space<hbm>> -> memref<1x40x128xi32, #tpu.memory_space<hbm>>
      %dma_start3A_436 = tpu.memref_squeeze %dma_start3A_435 : memref<1x40x128xi32, #tpu.memory_space<hbm>> -> memref<40x128xi32, #tpu.memory_space<hbm>>
      tpu.enqueue_dma source(%dma_start3A_436 : memref<40x128xi32, #tpu.memory_space<hbm>>) target(%arg7 : memref<40x128xi32, #tpu.memory_space<vmem>>) target_semaphore(%run_scoped3A : memref<!tpu.dma_semaphore, #tpu.memory_space<semaphore_mem>>)
      %dma_wait3A = arith.constant 0 : i32
      %dma_wait3A_437 = arith.constant 0 : i32
      %dma_wait3A_438 = tpu.memref_slice %arg4[%add3A, %dma_wait3A, %dma_wait3A_437] : memref<32x80x128xi32, #tpu.memory_space<hbm>> -> memref<1x40x128xi32, #tpu.memory_space<hbm>>
      %dma_wait3A_439 = tpu.memref_squeeze %dma_wait3A_438 : memref<1x40x128xi32, #tpu.memory_space<hbm>> -> memref<40x128xi32, #tpu.memory_space<hbm>>
      %dma_wait3A_440 = arith.constant 0 : i32
      %dma_wait3A_441 = arith.constant 0 : i32
      %dma_wait3A_442 = tpu.memref_slice %arg4[%add3A, %dma_wait3A_440, %dma_wait3A_441] : memref<32x80x128xi32, #tpu.memory_space<hbm>> -> memref<1x40x128xi32, #tpu.memory_space<hbm>>
      %dma_wait3A_443 = tpu.memref_squeeze %dma_wait3A_442 : memref<1x40x128xi32, #tpu.memory_space<hbm>> -> memref<40x128xi32, #tpu.memory_space<hbm>>
      tpu.wait_dma2 semaphore(%run_scoped3A : memref<!tpu.dma_semaphore, #tpu.memory_space<semaphore_mem>>) src(%dma_wait3A_443 : memref<40x128xi32, #tpu.memory_space<hbm>>) dst(%arg7 : memref<40x128xi32, #tpu.memory_space<vmem>>)
      tpu.yield
    }) : () -> ()
    %dma_start3A = arith.constant 0 : i32
    %dma_start3A_391 = arith.constant 0 : i32
    %dma_start3A_392 = tpu.memref_slice %arg6[%dma_start3A, %dma_start3A_391] : memref<40x128xi32, #tpu.memory_space<vmem>> -> memref<1x128xi32, #tpu.memory_space<vmem>>
    %dma_start3A_393 = tpu.memref_squeeze %dma_start3A_392 : memref<1x128xi32, #tpu.memory_space<vmem>> -> memref<128xi32, #tpu.memory_space<vmem>>
    %dma_start3A_394 = arith.constant 0 : i32
    %dma_start3A_395 = arith.constant 0 : i32
    %dma_start3A_396 = tpu.memref_slice %arg2[%dma_start3A_394, %dma_start3A_395] : memref<10000x128xf32, #tpu.memory_space<hbm>> -> memref<10000x128xf32, #tpu.memory_space<hbm>>
    tpu.enqueue_indirect_dma source(%dma_start3A_396 : memref<10000x128xf32, #tpu.memory_space<hbm>>) target(%arg8 : memref<128x128xf32, #tpu.memory_space<vmem>>) offsets(%dma_start3A_393 : memref<128xi32, #tpu.memory_space<vmem>>) semaphore(%arg12 : memref<!tpu.dma_semaphore, #tpu.memory_space<semaphore_mem>>)
    %dma_start3A_397 = arith.constant 1 : i32
    %dma_start3A_398 = arith.constant 0 : i32
    %dma_start3A_399 = tpu.memref_slice %arg6[%dma_start3A_397, %dma_start3A_398] : memref<40x128xi32, #tpu.memory_space<vmem>> -> memref<1x128xi32, #tpu.memory_space<vmem>>
    %dma_start3A_400 = tpu.memref_squeeze %dma_start3A_399 : memref<1x128xi32, #tpu.memory_space<vmem>> -> memref<128xi32, #tpu.memory_space<vmem>>
    %dma_start3A_401 = arith.constant 0 : i32
    %dma_start3A_402 = arith.constant 0 : i32
    %dma_start3A_403 = tpu.memref_slice %arg2[%dma_start3A_401, %dma_start3A_402] : memref<10000x128xf32, #tpu.memory_space<hbm>> -> memref<10000x128xf32, #tpu.memory_space<hbm>>
    tpu.enqueue_indirect_dma source(%dma_start3A_403 : memref<10000x128xf32, #tpu.memory_space<hbm>>) target(%arg9 : memref<128x128xf32, #tpu.memory_space<vmem>>) offsets(%dma_start3A_400 : memref<128xi32, #tpu.memory_space<vmem>>) semaphore(%arg13 : memref<!tpu.dma_semaphore, #tpu.memory_space<semaphore_mem>>)
    %scan3A_404 = arith.constant 0 : i32
    %scan3A_405 = arith.constant 20 : i32
    %scan3A_406 = arith.addi %scan3A_404, %scan3A_405 : i32
    %scan3A_407 = arith.constant 1 : i32
    scf.for %scan3A_429 = %scan3A_404 to %scan3A_406 step %scan3A_407  : i32 {
      %mul3A_430 = arith.constant 2 : i32
      %mul3A_431 = arith.muli %scan3A_429, %mul3A_430 : i32
      %add3A_432 = arith.constant 0 : i32
      %add3A_433 = arith.addi %add3A_432, %mul3A_431 : i32
      %add3A_434 = arith.constant 0 : i32
      %add3A_435 = arith.addi %add3A_433, %add3A_434 : i32
      %dma_wait3A = arith.constant 0 : i32
      %dma_wait3A_436 = tpu.memref_slice %arg6[%add3A_435, %dma_wait3A] : memref<40x128xi32, #tpu.memory_space<vmem>> -> memref<1x128xi32, #tpu.memory_space<vmem>>
      %dma_wait3A_437 = tpu.memref_squeeze %dma_wait3A_436 : memref<1x128xi32, #tpu.memory_space<vmem>> -> memref<128xi32, #tpu.memory_space<vmem>>
      %dma_wait3A_438 = arith.constant 0 : i32
      %dma_wait3A_439 = arith.constant 0 : i32
      %dma_wait3A_440 = tpu.memref_slice %arg2[%dma_wait3A_438, %dma_wait3A_439] : memref<10000x128xf32, #tpu.memory_space<hbm>> -> memref<10000x128xf32, #tpu.memory_space<hbm>>
      tpu.wait_indirect_dma semaphore(%arg12 : memref<!tpu.dma_semaphore, #tpu.memory_space<semaphore_mem>>) src(%dma_wait3A_440 : memref<10000x128xf32, #tpu.memory_space<hbm>>) dst(%arg8 : memref<128x128xf32, #tpu.memory_space<vmem>>)
      %dma_start3A_441 = arith.constant 0 : i32
      %dma_start3A_442 = tpu.memref_slice %arg7[%add3A_435, %dma_start3A_441] : memref<40x128xi32, #tpu.memory_space<vmem>> -> memref<1x128xi32, #tpu.memory_space<vmem>>
      %dma_start3A_443 = tpu.memref_squeeze %dma_start3A_442 : memref<1x128xi32, #tpu.memory_space<vmem>> -> memref<128xi32, #tpu.memory_space<vmem>>
      %dma_start3A_444 = arith.constant 0 : i32
      %dma_start3A_445 = arith.constant 0 : i32
      %dma_start3A_446 = tpu.memref_slice %arg11[%dma_start3A_444, %dma_start3A_445] : memref<10112x128xf32, #tpu.memory_space<vmem_shared>> -> memref<10112x128xf32, #tpu.memory_space<vmem_shared>>
      tpu.enqueue_indirect_dma source(%arg8 : memref<128x128xf32, #tpu.memory_space<vmem>>) target(%dma_start3A_446 : memref<10112x128xf32, #tpu.memory_space<vmem_shared>>) offsets(%dma_start3A_443 : memref<128xi32, #tpu.memory_space<vmem>>) semaphore(%arg14 : memref<!tpu.dma_semaphore, #tpu.memory_space<semaphore_mem>>) {add = true}
      %dma_wait3A_447 = arith.constant 0 : i32
      %dma_wait3A_448 = tpu.memref_slice %arg7[%add3A_435, %dma_wait3A_447] : memref<40x128xi32, #tpu.memory_space<vmem>> -> memref<1x128xi32, #tpu.memory_space<vmem>>
      %dma_wait3A_449 = tpu.memref_squeeze %dma_wait3A_448 : memref<1x128xi32, #tpu.memory_space<vmem>> -> memref<128xi32, #tpu.memory_space<vmem>>
      %dma_wait3A_450 = arith.constant 0 : i32
      %dma_wait3A_451 = arith.constant 0 : i32
      %dma_wait3A_452 = tpu.memref_slice %arg11[%dma_wait3A_450, %dma_wait3A_451] : memref<10112x128xf32, #tpu.memory_space<vmem_shared>> -> memref<10112x128xf32, #tpu.memory_space<vmem_shared>>
      tpu.wait_indirect_dma semaphore(%arg14 : memref<!tpu.dma_semaphore, #tpu.memory_space<semaphore_mem>>) src(%arg8 : memref<128x128xf32, #tpu.memory_space<vmem>>) dst(%dma_wait3A_452 : memref<10112x128xf32, #tpu.memory_space<vmem_shared>>)
      %add3A_453 = arith.constant 2 : i32
      %add3A_454 = arith.addi %add3A_435, %add3A_453 : i32
      %lt3A = arith.constant 40 : i32
      %lt3A_455 = arith.cmpi slt, %add3A_454, %lt3A : i32
      %convert_element_type3A = arith.extui %lt3A_455 : i1 to i32
      %cond3A = arith.constant 0 : i32
      %cond3A_456 = arith.cmpi ne, %convert_element_type3A, %cond3A : i32
      scf.if %cond3A_456 {
        %add3A_484 = arith.constant 2 : i32
        %add3A_485 = arith.addi %add3A_435, %add3A_484 : i32
        %dma_start3A_486 = arith.constant 0 : i32
        %dma_start3A_487 = tpu.memref_slice %arg6[%add3A_485, %dma_start3A_486] : memref<40x128xi32, #tpu.memory_space<vmem>> -> memref<1x128xi32, #tpu.memory_space<vmem>>
        %dma_start3A_488 = tpu.memref_squeeze %dma_start3A_487 : memref<1x128xi32, #tpu.memory_space<vmem>> -> memref<128xi32, #tpu.memory_space<vmem>>
        %dma_start3A_489 = arith.constant 0 : i32
        %dma_start3A_490 = arith.constant 0 : i32
        %dma_start3A_491 = tpu.memref_slice %arg2[%dma_start3A_489, %dma_start3A_490] : memref<10000x128xf32, #tpu.memory_space<hbm>> -> memref<10000x128xf32, #tpu.memory_space<hbm>>
        tpu.enqueue_indirect_dma source(%dma_start3A_491 : memref<10000x128xf32, #tpu.memory_space<hbm>>) target(%arg8 : memref<128x128xf32, #tpu.memory_space<vmem>>) offsets(%dma_start3A_488 : memref<128xi32, #tpu.memory_space<vmem>>) semaphore(%arg12 : memref<!tpu.dma_semaphore, #tpu.memory_space<semaphore_mem>>)
      } else {
      }
      %add3A_457 = arith.constant 1 : i32
      %add3A_458 = arith.addi %add3A_433, %add3A_457 : i32
      %dma_wait3A_459 = arith.constant 0 : i32
      %dma_wait3A_460 = tpu.memref_slice %arg6[%add3A_458, %dma_wait3A_459] : memref<40x128xi32, #tpu.memory_space<vmem>> -> memref<1x128xi32, #tpu.memory_space<vmem>>
      %dma_wait3A_461 = tpu.memref_squeeze %dma_wait3A_460 : memref<1x128xi32, #tpu.memory_space<vmem>> -> memref<128xi32, #tpu.memory_space<vmem>>
      %dma_wait3A_462 = arith.constant 0 : i32
      %dma_wait3A_463 = arith.constant 0 : i32
      %dma_wait3A_464 = tpu.memref_slice %arg2[%dma_wait3A_462, %dma_wait3A_463] : memref<10000x128xf32, #tpu.memory_space<hbm>> -> memref<10000x128xf32, #tpu.memory_space<hbm>>
      tpu.wait_indirect_dma semaphore(%arg13 : memref<!tpu.dma_semaphore, #tpu.memory_space<semaphore_mem>>) src(%dma_wait3A_464 : memref<10000x128xf32, #tpu.memory_space<hbm>>) dst(%arg9 : memref<128x128xf32, #tpu.memory_space<vmem>>)
      %dma_start3A_465 = arith.constant 0 : i32
      %dma_start3A_466 = tpu.memref_slice %arg7[%add3A_458, %dma_start3A_465] : memref<40x128xi32, #tpu.memory_space<vmem>> -> memref<1x128xi32, #tpu.memory_space<vmem>>
      %dma_start3A_467 = tpu.memref_squeeze %dma_start3A_466 : memref<1x128xi32, #tpu.memory_space<vmem>> -> memref<128xi32, #tpu.memory_space<vmem>>
      %dma_start3A_468 = arith.constant 0 : i32
      %dma_start3A_469 = arith.constant 0 : i32
      %dma_start3A_470 = tpu.memref_slice %arg11[%dma_start3A_468, %dma_start3A_469] : memref<10112x128xf32, #tpu.memory_space<vmem_shared>> -> memref<10112x128xf32, #tpu.memory_space<vmem_shared>>
      tpu.enqueue_indirect_dma source(%arg9 : memref<128x128xf32, #tpu.memory_space<vmem>>) target(%dma_start3A_470 : memref<10112x128xf32, #tpu.memory_space<vmem_shared>>) offsets(%dma_start3A_467 : memref<128xi32, #tpu.memory_space<vmem>>) semaphore(%arg15 : memref<!tpu.dma_semaphore, #tpu.memory_space<semaphore_mem>>) {add = true}
      %dma_wait3A_471 = arith.constant 0 : i32
      %dma_wait3A_472 = tpu.memref_slice %arg7[%add3A_458, %dma_wait3A_471] : memref<40x128xi32, #tpu.memory_space<vmem>> -> memref<1x128xi32, #tpu.memory_space<vmem>>
      %dma_wait3A_473 = tpu.memref_squeeze %dma_wait3A_472 : memref<1x128xi32, #tpu.memory_space<vmem>> -> memref<128xi32, #tpu.memory_space<vmem>>
      %dma_wait3A_474 = arith.constant 0 : i32
      %dma_wait3A_475 = arith.constant 0 : i32
      %dma_wait3A_476 = tpu.memref_slice %arg11[%dma_wait3A_474, %dma_wait3A_475] : memref<10112x128xf32, #tpu.memory_space<vmem_shared>> -> memref<10112x128xf32, #tpu.memory_space<vmem_shared>>
      tpu.wait_indirect_dma semaphore(%arg15 : memref<!tpu.dma_semaphore, #tpu.memory_space<semaphore_mem>>) src(%arg9 : memref<128x128xf32, #tpu.memory_space<vmem>>) dst(%dma_wait3A_476 : memref<10112x128xf32, #tpu.memory_space<vmem_shared>>)
      %add3A_477 = arith.constant 2 : i32
      %add3A_478 = arith.addi %add3A_458, %add3A_477 : i32
      %lt3A_479 = arith.constant 40 : i32
      %lt3A_480 = arith.cmpi slt, %add3A_478, %lt3A_479 : i32
      %convert_element_type3A_481 = arith.extui %lt3A_480 : i1 to i32
      %cond3A_482 = arith.constant 0 : i32
      %cond3A_483 = arith.cmpi ne, %convert_element_type3A_481, %cond3A_482 : i32
      scf.if %cond3A_483 {
        %add3A_484 = arith.constant 2 : i32
        %add3A_485 = arith.addi %add3A_458, %add3A_484 : i32
        %dma_start3A_486 = arith.constant 0 : i32
        %dma_start3A_487 = tpu.memref_slice %arg6[%add3A_485, %dma_start3A_486] : memref<40x128xi32, #tpu.memory_space<vmem>> -> memref<1x128xi32, #tpu.memory_space<vmem>>
        %dma_start3A_488 = tpu.memref_squeeze %dma_start3A_487 : memref<1x128xi32, #tpu.memory_space<vmem>> -> memref<128xi32, #tpu.memory_space<vmem>>
        %dma_start3A_489 = arith.constant 0 : i32
        %dma_start3A_490 = arith.constant 0 : i32
        %dma_start3A_491 = tpu.memref_slice %arg2[%dma_start3A_489, %dma_start3A_490] : memref<10000x128xf32, #tpu.memory_space<hbm>> -> memref<10000x128xf32, #tpu.memory_space<hbm>>
        tpu.enqueue_indirect_dma source(%dma_start3A_491 : memref<10000x128xf32, #tpu.memory_space<hbm>>) target(%arg9 : memref<128x128xf32, #tpu.memory_space<vmem>>) offsets(%dma_start3A_488 : memref<128xi32, #tpu.memory_space<vmem>>) semaphore(%arg13 : memref<!tpu.dma_semaphore, #tpu.memory_space<semaphore_mem>>)
      } else {
      }
    }
    %scan3A_408 = arith.constant 20 : i32
    "tpu.region"() ({
      %run_scoped3A = tpu.sem_alloc : memref<!tpu.dma_semaphore, #tpu.memory_space<semaphore_mem>>
      %dma_start3A_429 = arith.constant 40 : i32
      %dma_start3A_430 = arith.constant 0 : i32
      %dma_start3A_431 = tpu.memref_slice %arg3[%add3A, %dma_start3A_429, %dma_start3A_430] : memref<32x80x128xi32, #tpu.memory_space<hbm>> -> memref<1x40x128xi32, #tpu.memory_space<hbm>>
      %dma_start3A_432 = tpu.memref_squeeze %dma_start3A_431 : memref<1x40x128xi32, #tpu.memory_space<hbm>> -> memref<40x128xi32, #tpu.memory_space<hbm>>
      %dma_start3A_433 = arith.constant 40 : i32
      %dma_start3A_434 = arith.constant 0 : i32
      %dma_start3A_435 = tpu.memref_slice %arg3[%add3A, %dma_start3A_433, %dma_start3A_434] : memref<32x80x128xi32, #tpu.memory_space<hbm>> -> memref<1x40x128xi32, #tpu.memory_space<hbm>>
      %dma_start3A_436 = tpu.memref_squeeze %dma_start3A_435 : memref<1x40x128xi32, #tpu.memory_space<hbm>> -> memref<40x128xi32, #tpu.memory_space<hbm>>
      tpu.enqueue_dma source(%dma_start3A_436 : memref<40x128xi32, #tpu.memory_space<hbm>>) target(%arg6 : memref<40x128xi32, #tpu.memory_space<vmem>>) target_semaphore(%run_scoped3A : memref<!tpu.dma_semaphore, #tpu.memory_space<semaphore_mem>>)
      %dma_wait3A = arith.constant 40 : i32
      %dma_wait3A_437 = arith.constant 0 : i32
      %dma_wait3A_438 = tpu.memref_slice %arg3[%add3A, %dma_wait3A, %dma_wait3A_437] : memref<32x80x128xi32, #tpu.memory_space<hbm>> -> memref<1x40x128xi32, #tpu.memory_space<hbm>>
      %dma_wait3A_439 = tpu.memref_squeeze %dma_wait3A_438 : memref<1x40x128xi32, #tpu.memory_space<hbm>> -> memref<40x128xi32, #tpu.memory_space<hbm>>
      %dma_wait3A_440 = arith.constant 40 : i32
      %dma_wait3A_441 = arith.constant 0 : i32
      %dma_wait3A_442 = tpu.memref_slice %arg3[%add3A, %dma_wait3A_440, %dma_wait3A_441] : memref<32x80x128xi32, #tpu.memory_space<hbm>> -> memref<1x40x128xi32, #tpu.memory_space<hbm>>
      %dma_wait3A_443 = tpu.memref_squeeze %dma_wait3A_442 : memref<1x40x128xi32, #tpu.memory_space<hbm>> -> memref<40x128xi32, #tpu.memory_space<hbm>>
      tpu.wait_dma2 semaphore(%run_scoped3A : memref<!tpu.dma_semaphore, #tpu.memory_space<semaphore_mem>>) src(%dma_wait3A_443 : memref<40x128xi32, #tpu.memory_space<hbm>>) dst(%arg6 : memref<40x128xi32, #tpu.memory_space<vmem>>)
      tpu.yield
    }) : () -> ()
    "tpu.region"() ({
      %run_scoped3A = tpu.sem_alloc : memref<!tpu.dma_semaphore, #tpu.memory_space<semaphore_mem>>
      %dma_start3A_429 = arith.constant 40 : i32
      %dma_start3A_430 = arith.constant 0 : i32
      %dma_start3A_431 = tpu.memref_slice %arg4[%add3A, %dma_start3A_429, %dma_start3A_430] : memref<32x80x128xi32, #tpu.memory_space<hbm>> -> memref<1x40x128xi32, #tpu.memory_space<hbm>>
      %dma_start3A_432 = tpu.memref_squeeze %dma_start3A_431 : memref<1x40x128xi32, #tpu.memory_space<hbm>> -> memref<40x128xi32, #tpu.memory_space<hbm>>
      %dma_start3A_433 = arith.constant 40 : i32
      %dma_start3A_434 = arith.constant 0 : i32
      %dma_start3A_435 = tpu.memref_slice %arg4[%add3A, %dma_start3A_433, %dma_start3A_434] : memref<32x80x128xi32, #tpu.memory_space<hbm>> -> memref<1x40x128xi32, #tpu.memory_space<hbm>>
      %dma_start3A_436 = tpu.memref_squeeze %dma_start3A_435 : memref<1x40x128xi32, #tpu.memory_space<hbm>> -> memref<40x128xi32, #tpu.memory_space<hbm>>
      tpu.enqueue_dma source(%dma_start3A_436 : memref<40x128xi32, #tpu.memory_space<hbm>>) target(%arg7 : memref<40x128xi32, #tpu.memory_space<vmem>>) target_semaphore(%run_scoped3A : memref<!tpu.dma_semaphore, #tpu.memory_space<semaphore_mem>>)
      %dma_wait3A = arith.constant 40 : i32
      %dma_wait3A_437 = arith.constant 0 : i32
      %dma_wait3A_438 = tpu.memref_slice %arg4[%add3A, %dma_wait3A, %dma_wait3A_437] : memref<32x80x128xi32, #tpu.memory_space<hbm>> -> memref<1x40x128xi32, #tpu.memory_space<hbm>>
      %dma_wait3A_439 = tpu.memref_squeeze %dma_wait3A_438 : memref<1x40x128xi32, #tpu.memory_space<hbm>> -> memref<40x128xi32, #tpu.memory_space<hbm>>
      %dma_wait3A_440 = arith.constant 40 : i32
      %dma_wait3A_441 = arith.constant 0 : i32
      %dma_wait3A_442 = tpu.memref_slice %arg4[%add3A, %dma_wait3A_440, %dma_wait3A_441] : memref<32x80x128xi32, #tpu.memory_space<hbm>> -> memref<1x40x128xi32, #tpu.memory_space<hbm>>
      %dma_wait3A_443 = tpu.memref_squeeze %dma_wait3A_442 : memref<1x40x128xi32, #tpu.memory_space<hbm>> -> memref<40x128xi32, #tpu.memory_space<hbm>>
      tpu.wait_dma2 semaphore(%run_scoped3A : memref<!tpu.dma_semaphore, #tpu.memory_space<semaphore_mem>>) src(%dma_wait3A_443 : memref<40x128xi32, #tpu.memory_space<hbm>>) dst(%arg7 : memref<40x128xi32, #tpu.memory_space<vmem>>)
      tpu.yield
    }) : () -> ()
    %dma_start3A_409 = arith.constant 0 : i32
    %dma_start3A_410 = arith.constant 0 : i32
    %dma_start3A_411 = tpu.memref_slice %arg6[%dma_start3A_409, %dma_start3A_410] : memref<40x128xi32, #tpu.memory_space<vmem>> -> memref<1x128xi32, #tpu.memory_space<vmem>>
    %dma_start3A_412 = tpu.memref_squeeze %dma_start3A_411 : memref<1x128xi32, #tpu.memory_space<vmem>> -> memref<128xi32, #tpu.memory_space<vmem>>
    %dma_start3A_413 = arith.constant 0 : i32
    %dma_start3A_414 = arith.constant 0 : i32
    %dma_start3A_415 = tpu.memref_slice %arg2[%dma_start3A_413, %dma_start3A_414] : memref<10000x128xf32, #tpu.memory_space<hbm>> -> memref<10000x128xf32, #tpu.memory_space<hbm>>
    tpu.enqueue_indirect_dma source(%dma_start3A_415 : memref<10000x128xf32, #tpu.memory_space<hbm>>) target(%arg8 : memref<128x128xf32, #tpu.memory_space<vmem>>) offsets(%dma_start3A_412 : memref<128xi32, #tpu.memory_space<vmem>>) semaphore(%arg12 : memref<!tpu.dma_semaphore, #tpu.memory_space<semaphore_mem>>)
    %dma_start3A_416 = arith.constant 1 : i32
    %dma_start3A_417 = arith.constant 0 : i32
    %dma_start3A_418 = tpu.memref_slice %arg6[%dma_start3A_416, %dma_start3A_417] : memref<40x128xi32, #tpu.memory_space<vmem>> -> memref<1x128xi32, #tpu.memory_space<vmem>>
    %dma_start3A_419 = tpu.memref_squeeze %dma_start3A_418 : memref<1x128xi32, #tpu.memory_space<vmem>> -> memref<128xi32, #tpu.memory_space<vmem>>
    %dma_start3A_420 = arith.constant 0 : i32
    %dma_start3A_421 = arith.constant 0 : i32
    %dma_start3A_422 = tpu.memref_slice %arg2[%dma_start3A_420, %dma_start3A_421] : memref<10000x128xf32, #tpu.memory_space<hbm>> -> memref<10000x128xf32, #tpu.memory_space<hbm>>
    tpu.enqueue_indirect_dma source(%dma_start3A_422 : memref<10000x128xf32, #tpu.memory_space<hbm>>) target(%arg9 : memref<128x128xf32, #tpu.memory_space<vmem>>) offsets(%dma_start3A_419 : memref<128xi32, #tpu.memory_space<vmem>>) semaphore(%arg13 : memref<!tpu.dma_semaphore, #tpu.memory_space<semaphore_mem>>)
    %scan3A_423 = arith.constant 0 : i32
    %scan3A_424 = arith.constant 20 : i32
    %scan3A_425 = arith.addi %scan3A_423, %scan3A_424 : i32
    %scan3A_426 = arith.constant 1 : i32
    scf.for %scan3A_429 = %scan3A_423 to %scan3A_425 step %scan3A_426  : i32 {
      %mul3A_430 = arith.constant 2 : i32
      %mul3A_431 = arith.muli %scan3A_429, %mul3A_430 : i32
      %add3A_432 = arith.constant 0 : i32
      %add3A_433 = arith.addi %add3A_432, %mul3A_431 : i32
      %add3A_434 = arith.constant 0 : i32
      %add3A_435 = arith.addi %add3A_433, %add3A_434 : i32
      %dma_wait3A = arith.constant 0 : i32
      %dma_wait3A_436 = tpu.memref_slice %arg6[%add3A_435, %dma_wait3A] : memref<40x128xi32, #tpu.memory_space<vmem>> -> memref<1x128xi32, #tpu.memory_space<vmem>>
      %dma_wait3A_437 = tpu.memref_squeeze %dma_wait3A_436 : memref<1x128xi32, #tpu.memory_space<vmem>> -> memref<128xi32, #tpu.memory_space<vmem>>
      %dma_wait3A_438 = arith.constant 0 : i32
      %dma_wait3A_439 = arith.constant 0 : i32
      %dma_wait3A_440 = tpu.memref_slice %arg2[%dma_wait3A_438, %dma_wait3A_439] : memref<10000x128xf32, #tpu.memory_space<hbm>> -> memref<10000x128xf32, #tpu.memory_space<hbm>>
      tpu.wait_indirect_dma semaphore(%arg12 : memref<!tpu.dma_semaphore, #tpu.memory_space<semaphore_mem>>) src(%dma_wait3A_440 : memref<10000x128xf32, #tpu.memory_space<hbm>>) dst(%arg8 : memref<128x128xf32, #tpu.memory_space<vmem>>)
      %dma_start3A_441 = arith.constant 0 : i32
      %dma_start3A_442 = tpu.memref_slice %arg7[%add3A_435, %dma_start3A_441] : memref<40x128xi32, #tpu.memory_space<vmem>> -> memref<1x128xi32, #tpu.memory_space<vmem>>
      %dma_start3A_443 = tpu.memref_squeeze %dma_start3A_442 : memref<1x128xi32, #tpu.memory_space<vmem>> -> memref<128xi32, #tpu.memory_space<vmem>>
      %dma_start3A_444 = arith.constant 0 : i32
      %dma_start3A_445 = arith.constant 0 : i32
      %dma_start3A_446 = tpu.memref_slice %arg11[%dma_start3A_444, %dma_start3A_445] : memref<10112x128xf32, #tpu.memory_space<vmem_shared>> -> memref<10112x128xf32, #tpu.memory_space<vmem_shared>>
      tpu.enqueue_indirect_dma source(%arg8 : memref<128x128xf32, #tpu.memory_space<vmem>>) target(%dma_start3A_446 : memref<10112x128xf32, #tpu.memory_space<vmem_shared>>) offsets(%dma_start3A_443 : memref<128xi32, #tpu.memory_space<vmem>>) semaphore(%arg14 : memref<!tpu.dma_semaphore, #tpu.memory_space<semaphore_mem>>) {add = true}
      %dma_wait3A_447 = arith.constant 0 : i32
      %dma_wait3A_448 = tpu.memref_slice %arg7[%add3A_435, %dma_wait3A_447] : memref<40x128xi32, #tpu.memory_space<vmem>> -> memref<1x128xi32, #tpu.memory_space<vmem>>
      %dma_wait3A_449 = tpu.memref_squeeze %dma_wait3A_448 : memref<1x128xi32, #tpu.memory_space<vmem>> -> memref<128xi32, #tpu.memory_space<vmem>>
      %dma_wait3A_450 = arith.constant 0 : i32
      %dma_wait3A_451 = arith.constant 0 : i32
      %dma_wait3A_452 = tpu.memref_slice %arg11[%dma_wait3A_450, %dma_wait3A_451] : memref<10112x128xf32, #tpu.memory_space<vmem_shared>> -> memref<10112x128xf32, #tpu.memory_space<vmem_shared>>
      tpu.wait_indirect_dma semaphore(%arg14 : memref<!tpu.dma_semaphore, #tpu.memory_space<semaphore_mem>>) src(%arg8 : memref<128x128xf32, #tpu.memory_space<vmem>>) dst(%dma_wait3A_452 : memref<10112x128xf32, #tpu.memory_space<vmem_shared>>)
      %add3A_453 = arith.constant 2 : i32
      %add3A_454 = arith.addi %add3A_435, %add3A_453 : i32
      %lt3A = arith.constant 40 : i32
      %lt3A_455 = arith.cmpi slt, %add3A_454, %lt3A : i32
      %convert_element_type3A = arith.extui %lt3A_455 : i1 to i32
      %cond3A = arith.constant 0 : i32
      %cond3A_456 = arith.cmpi ne, %convert_element_type3A, %cond3A : i32
      scf.if %cond3A_456 {
        %add3A_484 = arith.constant 2 : i32
        %add3A_485 = arith.addi %add3A_435, %add3A_484 : i32
        %dma_start3A_486 = arith.constant 0 : i32
        %dma_start3A_487 = tpu.memref_slice %arg6[%add3A_485, %dma_start3A_486] : memref<40x128xi32, #tpu.memory_space<vmem>> -> memref<1x128xi32, #tpu.memory_space<vmem>>
        %dma_start3A_488 = tpu.memref_squeeze %dma_start3A_487 : memref<1x128xi32, #tpu.memory_space<vmem>> -> memref<128xi32, #tpu.memory_space<vmem>>
        %dma_start3A_489 = arith.constant 0 : i32
        %dma_start3A_490 = arith.constant 0 : i32
        %dma_start3A_491 = tpu.memref_slice %arg2[%dma_start3A_489, %dma_start3A_490] : memref<10000x128xf32, #tpu.memory_space<hbm>> -> memref<10000x128xf32, #tpu.memory_space<hbm>>
        tpu.enqueue_indirect_dma source(%dma_start3A_491 : memref<10000x128xf32, #tpu.memory_space<hbm>>) target(%arg8 : memref<128x128xf32, #tpu.memory_space<vmem>>) offsets(%dma_start3A_488 : memref<128xi32, #tpu.memory_space<vmem>>) semaphore(%arg12 : memref<!tpu.dma_semaphore, #tpu.memory_space<semaphore_mem>>)
      } else {
      }
      %add3A_457 = arith.constant 1 : i32
      %add3A_458 = arith.addi %add3A_433, %add3A_457 : i32
      %dma_wait3A_459 = arith.constant 0 : i32
      %dma_wait3A_460 = tpu.memref_slice %arg6[%add3A_458, %dma_wait3A_459] : memref<40x128xi32, #tpu.memory_space<vmem>> -> memref<1x128xi32, #tpu.memory_space<vmem>>
      %dma_wait3A_461 = tpu.memref_squeeze %dma_wait3A_460 : memref<1x128xi32, #tpu.memory_space<vmem>> -> memref<128xi32, #tpu.memory_space<vmem>>
      %dma_wait3A_462 = arith.constant 0 : i32
      %dma_wait3A_463 = arith.constant 0 : i32
      %dma_wait3A_464 = tpu.memref_slice %arg2[%dma_wait3A_462, %dma_wait3A_463] : memref<10000x128xf32, #tpu.memory_space<hbm>> -> memref<10000x128xf32, #tpu.memory_space<hbm>>
      tpu.wait_indirect_dma semaphore(%arg13 : memref<!tpu.dma_semaphore, #tpu.memory_space<semaphore_mem>>) src(%dma_wait3A_464 : memref<10000x128xf32, #tpu.memory_space<hbm>>) dst(%arg9 : memref<128x128xf32, #tpu.memory_space<vmem>>)
      %dma_start3A_465 = arith.constant 0 : i32
      %dma_start3A_466 = tpu.memref_slice %arg7[%add3A_458, %dma_start3A_465] : memref<40x128xi32, #tpu.memory_space<vmem>> -> memref<1x128xi32, #tpu.memory_space<vmem>>
      %dma_start3A_467 = tpu.memref_squeeze %dma_start3A_466 : memref<1x128xi32, #tpu.memory_space<vmem>> -> memref<128xi32, #tpu.memory_space<vmem>>
      %dma_start3A_468 = arith.constant 0 : i32
      %dma_start3A_469 = arith.constant 0 : i32
      %dma_start3A_470 = tpu.memref_slice %arg11[%dma_start3A_468, %dma_start3A_469] : memref<10112x128xf32, #tpu.memory_space<vmem_shared>> -> memref<10112x128xf32, #tpu.memory_space<vmem_shared>>
      tpu.enqueue_indirect_dma source(%arg9 : memref<128x128xf32, #tpu.memory_space<vmem>>) target(%dma_start3A_470 : memref<10112x128xf32, #tpu.memory_space<vmem_shared>>) offsets(%dma_start3A_467 : memref<128xi32, #tpu.memory_space<vmem>>) semaphore(%arg15 : memref<!tpu.dma_semaphore, #tpu.memory_space<semaphore_mem>>) {add = true}
      %dma_wait3A_471 = arith.constant 0 : i32
      %dma_wait3A_472 = tpu.memref_slice %arg7[%add3A_458, %dma_wait3A_471] : memref<40x128xi32, #tpu.memory_space<vmem>> -> memref<1x128xi32, #tpu.memory_space<vmem>>
      %dma_wait3A_473 = tpu.memref_squeeze %dma_wait3A_472 : memref<1x128xi32, #tpu.memory_space<vmem>> -> memref<128xi32, #tpu.memory_space<vmem>>
      %dma_wait3A_474 = arith.constant 0 : i32
      %dma_wait3A_475 = arith.constant 0 : i32
      %dma_wait3A_476 = tpu.memref_slice %arg11[%dma_wait3A_474, %dma_wait3A_475] : memref<10112x128xf32, #tpu.memory_space<vmem_shared>> -> memref<10112x128xf32, #tpu.memory_space<vmem_shared>>
      tpu.wait_indirect_dma semaphore(%arg15 : memref<!tpu.dma_semaphore, #tpu.memory_space<semaphore_mem>>) src(%arg9 : memref<128x128xf32, #tpu.memory_space<vmem>>) dst(%dma_wait3A_476 : memref<10112x128xf32, #tpu.memory_space<vmem_shared>>)
      %add3A_477 = arith.constant 2 : i32
      %add3A_478 = arith.addi %add3A_458, %add3A_477 : i32
      %lt3A_479 = arith.constant 40 : i32
      %lt3A_480 = arith.cmpi slt, %add3A_478, %lt3A_479 : i32
      %convert_element_type3A_481 = arith.extui %lt3A_480 : i1 to i32
      %cond3A_482 = arith.constant 0 : i32
      %cond3A_483 = arith.cmpi ne, %convert_element_type3A_481, %cond3A_482 : i32
      scf.if %cond3A_483 {
        %add3A_484 = arith.constant 2 : i32
        %add3A_485 = arith.addi %add3A_458, %add3A_484 : i32
        %dma_start3A_486 = arith.constant 0 : i32
        %dma_start3A_487 = tpu.memref_slice %arg6[%add3A_485, %dma_start3A_486] : memref<40x128xi32, #tpu.memory_space<vmem>> -> memref<1x128xi32, #tpu.memory_space<vmem>>
        %dma_start3A_488 = tpu.memref_squeeze %dma_start3A_487 : memref<1x128xi32, #tpu.memory_space<vmem>> -> memref<128xi32, #tpu.memory_space<vmem>>
        %dma_start3A_489 = arith.constant 0 : i32
        %dma_start3A_490 = arith.constant 0 : i32
        %dma_start3A_491 = tpu.memref_slice %arg2[%dma_start3A_489, %dma_start3A_490] : memref<10000x128xf32, #tpu.memory_space<hbm>> -> memref<10000x128xf32, #tpu.memory_space<hbm>>
        tpu.enqueue_indirect_dma source(%dma_start3A_491 : memref<10000x128xf32, #tpu.memory_space<hbm>>) target(%arg9 : memref<128x128xf32, #tpu.memory_space<vmem>>) offsets(%dma_start3A_488 : memref<128xi32, #tpu.memory_space<vmem>>) semaphore(%arg13 : memref<!tpu.dma_semaphore, #tpu.memory_space<semaphore_mem>>)
      } else {
      }
    }
    %scan3A_427 = arith.constant 20 : i32
    %barrier3A_428 = arith.constant 0 : index
    tpu.barrier barrier_id(%barrier3A_428)
    "tpu.region"() ({
      %run_scoped3A = tpu.sem_alloc : memref<!tpu.dma_semaphore, #tpu.memory_space<semaphore_mem>>
      %dma_start3A_429 = arith.constant 0 : i32
      %dma_start3A_430 = tpu.memref_slice %arg5[%arg0, %mul3A_386, %dma_start3A_429] : memref<2x10112x128xf32, #tpu.memory_space<hbm>> -> memref<1x632x128xf32, #tpu.memory_space<hbm>>
      %dma_start3A_431 = tpu.memref_squeeze %dma_start3A_430 : memref<1x632x128xf32, #tpu.memory_space<hbm>> -> memref<632x128xf32, #tpu.memory_space<hbm>>
      %dma_start3A_432 = arith.constant 0 : i32
      %dma_start3A_433 = tpu.memref_slice %arg11[%mul3A_386, %dma_start3A_432] : memref<10112x128xf32, #tpu.memory_space<vmem_shared>> -> memref<632x128xf32, #tpu.memory_space<vmem_shared>>
      tpu.enqueue_dma source(%dma_start3A_433 : memref<632x128xf32, #tpu.memory_space<vmem_shared>>) target(%dma_start3A_431 : memref<632x128xf32, #tpu.memory_space<hbm>>) target_semaphore(%run_scoped3A : memref<!tpu.dma_semaphore, #tpu.memory_space<semaphore_mem>>)
      %dma_wait3A = arith.constant 0 : i32
      %dma_wait3A_434 = tpu.memref_slice %arg5[%arg0, %mul3A_386, %dma_wait3A] : memref<2x10112x128xf32, #tpu.memory_space<hbm>> -> memref<1x632x128xf32, #tpu.memory_space<hbm>>
      %dma_wait3A_435 = tpu.memref_squeeze %dma_wait3A_434 : memref<1x632x128xf32, #tpu.memory_space<hbm>> -> memref<632x128xf32, #tpu.memory_space<hbm>>
      %dma_wait3A_436 = arith.constant 0 : i32
      %dma_wait3A_437 = tpu.memref_slice %arg11[%mul3A_386, %dma_wait3A_436] : memref<10112x128xf32, #tpu.memory_space<vmem_shared>> -> memref<632x128xf32, #tpu.memory_space<vmem_shared>>
      tpu.wait_dma2 semaphore(%run_scoped3A : memref<!tpu.dma_semaphore, #tpu.memory_space<semaphore_mem>>) src(%dma_wait3A_437 : memref<632x128xf32, #tpu.memory_space<vmem_shared>>) dst(%dma_wait3A_435 : memref<632x128xf32, #tpu.memory_space<hbm>>)
      tpu.yield
    }) : () -> ()
    return
  }
}

module attributes {stable_mosaic.version = 14 : i64} {
  func.func @_mlp_body(%arg0: i32, %arg1: memref<1000x128xf32, #tpu.memory_space<vmem>>, %arg2: memref<2x1000x128xf32, #tpu.memory_space<vmem>>, %arg3: memref<128x256xf32, #tpu.memory_space<vmem>>, %arg4: memref<1x128xf32, #tpu.memory_space<vmem>>, %arg5: memref<1000x128xf32, #tpu.memory_space<vmem>>) attributes {dimension_semantics = [#tpu.dimension_semantics<arbitrary>], iteration_bounds = array<i64: 10>, scalar_prefetch = 0 : i64, scratch_operands = 0 : i64, tpu.core_type = #tpu.core_type<tc>, window_params = [{transform_indices = @transform_0, window_bounds = array<i64: 1000, 128>}, {transform_indices = @transform_1, window_bounds = array<i64: 2, 1000, 128>}, {pipeline_mode = #tpu.pipeline_mode<synchronous>, transform_indices = @transform_2, window_bounds = array<i64: 128, 256>}, {pipeline_mode = #tpu.pipeline_mode<synchronous>, transform_indices = @transform_3, window_bounds = array<i64: 1, 128>}, {transform_indices = @transform_4, window_bounds = array<i64: 1000, 128>}]} {
    %get3A = arith.constant 0 : index
    %get3A_0 = arith.constant 0 : index
    %get3A_1 = vector.load %arg1[%get3A, %get3A_0] : memref<1000x128xf32, #tpu.memory_space<vmem>>, vector<1000x128xf32>
    %get3A_2 = arith.constant 0 : index
    %get3A_3 = arith.constant 0 : index
    %get3A_4 = arith.constant 0 : index
    %get3A_5 = vector.load %arg2[%get3A_2, %get3A_3, %get3A_4] : memref<2x1000x128xf32, #tpu.memory_space<vmem>>, vector<1x1000x128xf32>
    %get3A_6 = vector.shape_cast %get3A_5 : vector<1x1000x128xf32> to vector<1000x128xf32>
    %get3A_7 = arith.constant 1 : index
    %get3A_8 = arith.constant 0 : index
    %get3A_9 = arith.constant 0 : index
    %get3A_10 = vector.load %arg2[%get3A_7, %get3A_8, %get3A_9] : memref<2x1000x128xf32, #tpu.memory_space<vmem>>, vector<1x1000x128xf32>
    %get3A_11 = vector.shape_cast %get3A_10 : vector<1x1000x128xf32> to vector<1000x128xf32>
    %add3A = arith.addf %get3A_6, %get3A_11 : vector<1000x128xf32>
    %get3A_12 = arith.constant 0 : index
    %get3A_13 = arith.constant 0 : index
    %get3A_14 = vector.load %arg3[%get3A_12, %get3A_13] : memref<128x256xf32, #tpu.memory_space<vmem>>, vector<128x256xf32>
    %slice3A = vector.extract_strided_slice %get3A_14 {offsets = [0, 0], sizes = [128, 128], strides = [1, 1]} : vector<128x256xf32> to vector<128x128xf32>
    %dot_general3A = arith.constant dense<0.000000e+00> : vector<1000x128xf32>
    %dot_general3A_15 = tpu.matmul %get3A_1, %slice3A, %dot_general3A {dimension_numbers = #tpu.dot_dimension_numbers<[1], [1], [0], [0], [0, 0, 1, 0], [], []>, transpose_lhs_hint = false} : vector<1000x128xf32>, vector<128x128xf32>, vector<1000x128xf32> -> vector<1000x128xf32>
    %slice3A_16 = vector.extract_strided_slice %get3A_14 {offsets = [0, 128], sizes = [128, 128], strides = [1, 1]} : vector<128x256xf32> to vector<128x128xf32>
    %dot_general3A_17 = arith.constant dense<0.000000e+00> : vector<1000x128xf32>
    %dot_general3A_18 = tpu.matmul %add3A, %slice3A_16, %dot_general3A_17 {dimension_numbers = #tpu.dot_dimension_numbers<[1], [1], [0], [0], [0, 0, 1, 0], [], []>, transpose_lhs_hint = false} : vector<1000x128xf32>, vector<128x128xf32>, vector<1000x128xf32> -> vector<1000x128xf32>
    %add3A_19 = arith.addf %dot_general3A_15, %dot_general3A_18 : vector<1000x128xf32>
    %get3A_20 = arith.constant 0 : index
    %get3A_21 = arith.constant 0 : index
    %get3A_22 = vector.load %arg4[%get3A_20, %get3A_21] : memref<1x128xf32, #tpu.memory_space<vmem>>, vector<1x128xf32>
    %add3A_23 = vector.broadcast %get3A_22 : vector<1x128xf32> to vector<1000x128xf32>
    %add3A_24 = arith.addf %add3A_19, %add3A_23 : vector<1000x128xf32>
    %max3A = arith.constant 0.000000e+00 : f32
    %max3A_25 = vector.broadcast %max3A : f32 to vector<1000x128xf32>
    %max3A_26 = arith.maximumf %add3A_24, %max3A_25 : vector<1000x128xf32>
    %swap3A = arith.constant 0 : index
    %swap3A_27 = arith.constant 0 : index
    %swap3A_28 = vector.load %arg5[%swap3A, %swap3A_27] : memref<1000x128xf32, #tpu.memory_space<vmem>>, vector<1000x128xf32>
    tpu.vector_store %arg5[%swap3A, %swap3A_27], %max3A_26 {strides = array<i32>} : memref<1000x128xf32, #tpu.memory_space<vmem>>, vector<1000x128xf32>,
    return
  }
  func.func @transform_0(%arg0: i32) -> (i32, i32) {
    %c0_i32 = arith.constant 0 : i32
    %c0_i32_0 = arith.constant 0 : i32
    return %arg0, %c0_i32 : i32, i32
  }
  func.func @transform_1(%arg0: i32) -> (i32, i32, i32) {
    %c0_i32 = arith.constant 0 : i32
    %c0_i32_0 = arith.constant 0 : i32
    %c0_i32_1 = arith.constant 0 : i32
    return %c0_i32, %arg0, %c0_i32_0 : i32, i32, i32
  }
  func.func @transform_2(%arg0: i32) -> (i32, i32) {
    %c0_i32 = arith.constant 0 : i32
    %c0_i32_0 = arith.constant 0 : i32
    %c0_i32_1 = arith.constant 0 : i32
    return %c0_i32, %c0_i32_0 : i32, i32
  }
  func.func @transform_3(%arg0: i32) -> (i32, i32) {
    %c0_i32 = arith.constant 0 : i32
    %c0_i32_0 = arith.constant 0 : i32
    %c0_i32_1 = arith.constant 0 : i32
    return %c0_i32, %c0_i32_0 : i32, i32
  }
  func.func @transform_4(%arg0: i32) -> (i32, i32) {
    %c0_i32 = arith.constant 0 : i32
    %c0_i32_0 = arith.constant 0 : i32
    return %arg0, %c0_i32 : i32, i32
  }
}

</mosaic_0001>

<sc_bundles>
// kernel: kernel.4.cloned.1.call-start
scs
__scs_entry_jumppad:
0x0: {  	(pc) =	sbr.rel $0x88, $3  }
0x1: {  	(tag) =	ssettag $0x0;
	lr =	simm.s32 $0x1  }
0x2: {  	[smem:$0x3F9C] =	sst lr;
	_ =	strace $0xD0000000  }
0x3: {  	_ = 	snop  }
0x4: {  	_ = 	snop  }
0x5: {  	_ = 	snop  }
0x6: {  	_ = 	snop  }
0x7: {  	_ = 	snop  }
__scs_overlays_trampoline_lowered:
0x8: {  	[smem:$0x3FAB] =	sst s0  }
0x9: {  	[smem:$0x3FAC] =	sst s1  }
0xa: {  	[smem:$0x3FAD] =	sst s2  }
0xb: {  	[smem:$0x3FAE] =	sst s3  }
0xc: {  	[smem:$0x3FAF] =	sst s4  }
0xd: {  	[smem:$0x3FB0] =	sst s5  }
0xe: {  	[smem:$0x3FB1] =	sst s6  }
0xf: {  	[smem:$0x3FB2] =	sst s7  }
0x10: {  	[smem:$0x3FB3] =	sst s8  }
0x11: {  	[smem:$0x3FB4] =	sst s9;
	s0 =	simm.s32 @!p0 $0x0  }
0x12: {  	s1 =	sld [smem:$0x3F9A];
	s0 =	simm.s32 @p0 $0x1  }
0x13: {  	[smem:$0x3FB5] =	sst s0;
	s0 =	simm.s32 @!p1 $0x0  }
0x14: {  	s2 =	sld [smem:$0x3F99];
	s0 =	simm.s32 @p1 $0x1  }
0x15: {  	[smem:$0x3FB6] =	sst s0;
	s0 =	simm.s32 @!p2 $0x0  }
0x16: {  	s3 =	sld [smem:$0x3FDB];
	s0 =	simm.s32 @p2 $0x1  }
0x17: {  	s4 =	simm.s32 $0x1BF5;
	[smem:$0x3FB8] =	sst s0  }
0x18: {  	s0 =	sld [smem:$0x3F9B];
	_ =	swait.ge [sflag:s4], $0x0  }
0x19: {  	s7 =	sld [smem:$0x3F9C]  }
0x1a: {  	s8 =	sadd.s32 $0xFFFFE003, lr  }
0x1b: {  	s9 =	sadd.s32 $0xFFFFFEF7, lr;
	s5 =	simm.s32 $0xFFFFFFFF;
	p2 =	slt.u32 s8, $0xFFFFF086  }
0x1c: {  	p1 =	slt.u32 s9, $0xF7A;
	s5 =	simm.s32 @!p2 $0x0  }
0x1d: {  	s5 =	simm.s32 @p1 $0x1;
	p0 =	seq.s32 s7, s2  }
0x1e: {  	s7 =	smul.u32 @!p0 $0xF7A, s2;
	p2 =	seq.s32 @!p0 s5, $0x0  }
0x1f: {  	s9 =	smul.u32 $0xF7A, s1;
	s8 =	simm.s32 @!p0 $0x1BF5;
	p2 =	por !p2, p0  }
0x20: {  	[sflag:s8] =	ssyncset.s32 @!p0 $0xFFFFF086;
	s6 =	sadd.s32 @!p0 s3, s7;
	s7 =	simm.s32 @!p0 $0x108  }
0x21: {  	s3 =	sadd.s32 s3, s9;
	s6 =	sadd.s32 @!p0 $0x88, s6;
	s7 =	simm.s32 @p2 $0x1082  }
0x22: {  	[simem:s7], [sflag:s8] =	dma.local @!p0 [hbm:s6], $0xF7A  }
0x23: {  	s9 =	sor.u32 $0xD0000000, s2;
	s6 =	simm.s32 $0x108;
	_ =	swait.ge @!p0 [sflag:s8], $0x0  }
0x24: {  	s3 =	sadd.s32 $0x88, s3;
	s6 =	simm.s32 @!p1 $0x1082;
	[sflag:s4] =	ssyncset.s32 $0xFFFFF086  }
0x25: {  	[simem:s6], [sflag:s4] =	dma.local [hbm:s3], $0xF7A  }
0x26: {  	[smem:$0x3F9C] =	sst s1;
	(tag) =	ssettag s2;
	_ =	strace s9  }
0x27: {  	s1 =	sld [smem:$0x3FAC]  }
0x28: {  	s2 =	sld [smem:$0x3FAD]  }
0x29: {  	s4 =	sld [smem:$0x3FAF]  }
0x2a: {  	p0 =	seq.s32 s5, $0x0;
	s5 =	sld [smem:$0x3FB0]  }
0x2b: {  	s6 =	sld [smem:$0x3FB1]  }
0x2c: {  	s7 =	sld [smem:$0x3FB2]  }
0x2d: {  	s3 =	simm.s32 $0x108;
	s8 =	sld [smem:$0x3FB3]  }
0x2e: {  	s3 =	simm.s32 @!p0 $0x1082;
	s9 =	sld [smem:$0x3FB4]  }
0x2f: {  	lr =	sadd.s32 s0, s3;
	s0 =	sld [smem:$0x3FAB]  }
0x30: {  	s3 =	sld [smem:$0x3FAE]  }
0x31: {  	[smem:$0x3FB7] =	sst s10  }
0x32: {  	s10 =	sld [smem:$0x3FB5];
	_ =	sdelay $0x3  }
0x33: {  	p0 =	seq.s32 s10, $0x1;
	s10 =	sld [smem:$0x3FB7];
	_ =	sdelay $0x3  }
0x34: {  	[smem:$0x3FB7] =	sst s10  }
0x35: {  	s10 =	sld [smem:$0x3FB6];
	_ =	sdelay $0x3  }
0x36: {  	p1 =	seq.s32 s10, $0x1;
	s10 =	sld [smem:$0x3FB7];
	_ =	sdelay $0x3  }
0x37: {  	[smem:$0x3FB7] =	sst s10  }
0x38: {  	s10 =	sld [smem:$0x3FB8]  }
0x39: {  	_ = 	snop;
	(pc) =	sbr.ind lr, $3  }
0x3a: {  	_ = 	snop  }
0x3b: {  	_ = 	snop  }
0x3c: {  	p2 =	seq.s32 s10, $0x1;
	s10 =	sld [smem:$0x3FB7]  }
0x3d: {  	_ =	shalt  }
0x3e: {  	_ =	shalt  }
0x3f: {  	_ =	shalt  }
0x40: {  	_ =	shalt  }
0x41: {  	_ =	shalt  }
0x42: {  	_ =	shalt  }
0x43: {  	_ =	shalt  }
0x44: {  	_ =	shalt  }
0x45: {  	_ =	shalt  }
0x46: {  	_ =	shalt  }
0x47: {  	_ =	shalt  }
0x48: {  	_ =	shalt  }
0x49: {  	_ =	shalt  }
0x4a: {  	_ =	shalt  }
0x4b: {  	_ =	shalt  }
0x4c: {  	_ =	shalt  }
0x4d: {  	_ =	shalt  }
0x4e: {  	_ =	shalt  }
0x4f: {  	_ =	shalt  }
0x50: {  	_ =	shalt  }
0x51: {  	_ =	shalt  }
0x52: {  	_ =	shalt  }
0x53: {  	_ =	shalt  }
0x54: {  	_ =	shalt  }
0x55: {  	_ =	shalt  }
0x56: {  	_ =	shalt  }
0x57: {  	_ =	shalt  }
0x58: {  	_ =	shalt  }
0x59: {  	_ =	shalt  }
0x5a: {  	_ =	shalt  }
0x5b: {  	_ =	shalt  }
0x5c: {  	_ =	shalt  }
0x5d: {  	_ =	shalt  }
0x5e: {  	_ =	shalt  }
0x5f: {  	_ =	shalt  }
0x60: {  	_ =	shalt  }
0x61: {  	_ =	shalt  }
0x62: {  	_ =	shalt  }
0x63: {  	_ =	shalt  }
0x64: {  	_ =	shalt  }
0x65: {  	_ =	shalt  }
0x66: {  	_ =	shalt  }
0x67: {  	_ =	shalt  }
0x68: {  	_ =	shalt  }
0x69: {  	_ =	shalt  }
0x6a: {  	_ =	shalt  }
0x6b: {  	_ =	shalt  }
0x6c: {  	_ =	shalt  }
0x6d: {  	_ =	shalt  }
0x6e: {  	_ =	shalt  }
0x6f: {  	_ =	shalt  }
0x70: {  	_ =	shalt  }
0x71: {  	_ =	shalt  }
0x72: {  	_ =	shalt  }
0x73: {  	_ =	shalt  }
0x74: {  	_ =	shalt  }
0x75: {  	_ =	shalt  }
0x76: {  	_ =	shalt  }
0x77: {  	_ =	shalt  }
0x78: {  	_ =	shalt  }
0x79: {  	_ =	shalt  }
0x7a: {  	_ =	shalt  }
0x7b: {  	_ =	shalt  }
0x7c: {  	_ =	shalt  }
0x7d: {  	_ =	shalt  }
0x7e: {  	_ =	shalt  }
0x7f: {  	_ =	shalt  }
0x80: {  	_ =	shalt  }
0x81: {  	_ =	shalt  }
0x82: {  	_ =	shalt  }
0x83: {  	_ =	shalt  }
0x84: {  	_ =	shalt  }
0x85: {  	_ =	shalt  }
0x86: {  	_ =	shalt  }
0x87: {  	_ =	shalt  }
.Lfunc_end0:
.L_simem_size_0:
called_computation_lowered:
.L_overlay_start_0:
0x88: {  	s2 =	sld [smem:$0x3FD9]  }
0x89: {  	s3 =	sld [smem:$0x3FFE];
	_ =	sdelay $0x1  }
0x8a: {  	s1 =	srdreg.scid  }
0x8b: {  	s0 =	sand.u32 $0x1, s1  }
0x8c: {  	s17 =	sshll.u32 s0, $0xA;
	s2 =	sadd.s32 s3, s2  }
0x8d: {  	s2 =	sadd.s32 s2, s17  }
0x8e: {  	[smem:$0x3FC3] =	sst s2  }
0x8f: {  	_ = 	snop  }
0x90: {  	s2 =	sld [smem:$0x3FC9]  }
0x91: {  	s18 =	sld [smem:$0x3FD0];
	(tm) =	ssettm $0x1  }
0x92: {  	s4 =	sld [smem:$0x3FFB];
	_ =	sdelay $0x3  }
0x93: {  	_ =	strace s4  }
0x94: {  	s4 =	sld [smem:$0x3FFC];
	_ =	sdelay $0x3  }
0x95: {  	_ =	strace s4  }
0x96: {  	s4 =	sld [smem:$0x3FFD];
	_ =	sdelay $0x3  }
0x97: {  	_ =	strace s4  }
0x98: {  	_ =	strace $0x8FFFFFFF  }
0x99: {  	s19 =	sld [smem:$0x3FDB];
	_ =	sdelay $0x1  }
0x9a: {  	s5 =	simm.s32 $_scs_section_size  }
0x9b: {  	s6 =	simm.s32 $_size__tile_overlayer_lowered;
	s7 =	simm.s32 $_tile_overlayer_lowered  }
0x9c: {  	s22 =	simm.s32 $0x1BFF;
	s21 =	sshll.u32 s7, $0x1;
	s4 =	sadd.s32 s5, s19  }
0x9d: {  	s8 =	simm.s32 $0x0;
	s20 =	sshll.u32 s6, $0x1;
	s6 =	sadd.s32 s21, s4  }
0x9e: {  	[timem:s8], [sflag:s22] =	dma.local [hbm:s6], s20  }
0x9f: {  	_ =	swait.ge [sflag:s22], s20  }
0xa0: {  	s5 =	ssub.s32 $0x0, s20;
	[sflag:s22] =	ssyncset.done $0x0  }
0xa1: {  	[sflag:s22] =	ssyncadd.s32 s5;
	_ =	sdelay $0x1  }
0xa2: {  	s23 =	simm.s32 $0x1B8B  }
0xa3: {  	_ =	swait.ge [sflag:s23], $0x1  }
0xa4: {  	[sflag:s23] =	ssyncset.done $0x0  }
0xa5: {  	s25 =	simm.s32 $0x1B8E;
	s24 =	sld [smem:$0x3FFE];
	[sflag:s23] =	ssyncadd.s32 $0xFFFFFFFF  }
0xa6: {  	s26 =	simm.s32 $execute0_lowered;
	[smem:$0x3FD2] =	sst s25  }
0xa7: {  	s6 =	sshll.u32 s26, $0x1;
	_ =	strace $0x80000046;
	[dreg:$0x1] =	wrdreg $0xFFFFFFFF  }
0xa8: {  	s28 =	simm.s32 $_size_execute0_lowered;
	s4 =	sadd.s32 s4, s6;
	[dreg:$0x0] =	wrdreg $0x0  }
0xa9: {  	s6 =	sshll.u32 s28, $0x1;
	[dreg:$0x2] =	wrdreg s4  }
0xaa: {  	[dreg:$0x3] =	wrdreg s6  }
0xab: {  	[dreg:$0x4] =	wrdreg $0xC0  }
0xac: {  	_ =	task [dreg:s8], $0x5FFFF  }
0xad: {  	[dreg:$0x1] =	wrdreg $0xFFFFFFFF  }
0xae: {  	[dreg:$0x0] =	wrdreg $0x60  }
0xaf: {  	[dreg:$0x2] =	wrdreg s2  }
0xb0: {  	[dreg:$0x3] =	wrdreg s18  }
0xb1: {  	[dreg:$0x4] =	wrdreg s24  }
0xb2: {  	[dreg:$0x5] =	wrdreg $0xAC000  }
0xb3: {  	[dreg:$0x6] =	wrdreg $0x9  }
0xb4: {  	_ =	task.clear_ibuf [dreg:s8], $0x7FFFF;
	_ =	strace $0x90000046  }
0xb5: {  	s29 =	simm.s32 $0x9;
	_ =	strace $0x80000048  }
0xb6: {  	_ =	swait.ge [sflag:s29], $0x1  }
0xb7: {  	[sflag:s29] =	ssyncadd.s32 $0xFFFFFFFF  }
0xb8: {  	_ =	strace $0x90000048  }
0xb9: {  	_ =	sfence  }
0xba: {  	s30 =	sld [smem:$0x0];
	_ =	sdelay $0x2  }
0xbb: {  	s31 =	sshll.u32 s1, $0xD;
	s1 =	sshrl.u32 s1, $0x2  }
0xbc: {  	s3 =	sand.u32 $0x4000, s31;
	s1 =	sadd.s32 s1, s30  }
0xbd: {  	s0 =	sor.u32 s3, s0;
	s1 =	sshll.u32 s1, $0x11  }
0xbe: {  	s0 =	sor.u32 s1, s0  }
0xbf: {  	s0 =	sadd.s32 $0x8F2B, s0  }
0xc0: {  	[sflag:s0] =	ssyncadd.remote.s32 $0x1  }
0xc1: {  	_ =	sfence.sel $0xFFFF  }
0xc2: {  	[dreg:$0x0] =	wrdreg $0xFFFFFFFF;
	(pc) =	sbr.abs _section_cstart, $3  }
0xc3: {  	[dreg:$0x1] =	wrdreg $0xFFFFFFFF  }
0xc4: {  	_ =	task.clear_ibuf [dreg:s8], $0x2FFFF;
	_ =	strace $0x9FFFFFFF  }
0xc5: {  	(tm) =	ssettm $0x7FFFFFFF  }
tec
execute0_lowered:
.L_overlay_start_1:
0x0: {  	(tag) =	ssettag $0x1  }
0x1: {  	s0 =	rddreg [dreg:$0x0]  }
0x2: {  	s8 =	rddreg [dreg:$0x1]  }
0x3: {  	s5 =	rddreg [dreg:$0x2];
	s1 =	srdreg.scid  }
0x4: {  	s3 =	rddreg [dreg:$0x3];
	s2 =	stileid.u32;
	s4 =	simm.s32 $0x0  }
0x5: {  	s14 =	simm.s32 $0x1400;
	s15 =	simm.s32 $0x80;
	s16 =	simm.s32 $0x2800  }
0x6: {  	s17 =	simm.s32 $0x6800;
	s18 =	simm.s32 $0x1;
	s19 =	simm.s32 $0x3  }
0x7: {  	s20 =	simm.s32 $0x2;
	s21 =	simm.s32 $0x4;
	s22 =	simm.s32 $0x2700  }
0x8: {  	s6 =	sand.u32 $0x1, s1;
	s1 =	rddreg [dreg:$0x4];
	s9 =	smul.u32 $0x13C00, s2  }
0x9: {  	s23 =	simm.s32 $0x2780;
	[smem:$0x7FF] =	sst s4;
	s28 =	smul.u32 $0x4F000, s2  }
0xa: {  	s11 =	sadd.s32 $0xC00, s5;
	s7 =	smul.u32 $0x13C000, s6;
	s10 =	sshll.u32 s6, $0x4  }
0xb: {  	_ =	strace $0x80000047;
	s29 =	ssub.s32 $0x2, s6;
	s26 =	sor.u32 s2, s10  }
0xc: {  	s6 =	sshrl.u32 s29, $0x1;
	s7 =	sadd.s32 s9, s7;
	s9 =	smul.u32 $0x2800, s26  }
0xd: {  	s30 =	sshrl.u32 s28, $0x2;
	s13 =	ssub.s32 s29, s6;
	s7 =	sshrl.u32 s7, $0x3  }
0xe: {  	s12 =	sadd.s32 s7, s5;
	s9 =	sshrl.u32 s9, $0x3;
	s5 =	sadd.s32 s30, s3  }
0xf: {  	s31 =	sadd.s32 $0x280, s9;
	s6 =	sadd.s32 s8, s9;
	s7 =	sadd.s32 s11, s9  }
0x10: {  	s10 =	sadd.s32 $0xAC00, s12;
	s12 =	simm.s32 $0xA800;
	s8 =	sadd.s32 s8, s31  }
0x11: {  	v0 =	vimm.f32 $0.0e+00;
	s9 =	sadd.s32 s11, s31;
	s11 =	smax.u32 s13, $0x1;
	s13 =	simm.s32 $0x5  }
.LBB2_1:
0x12: {  	[tilespmem:$0xA800] =	vst v0  }
0x13: {  	[tilespmem:$0xA810] =	vst v0  }
0x14: {  	[tilespmem:$0xA820] =	vst v0  }
0x15: {  	[tilespmem:$0xA830] =	vst v0  }
0x16: {  	[tilespmem:$0xA840] =	vst v0  }
0x17: {  	[tilespmem:$0xA850] =	vst v0  }
0x18: {  	[tilespmem:$0xA860] =	vst v0  }
0x19: {  	[tilespmem:$0xA870] =	vst v0  }
0x1a: {  	[tilespmem:$0xA880] =	vst v0  }
0x1b: {  	[tilespmem:$0xA890] =	vst v0  }
0x1c: {  	[tilespmem:$0xA8A0] =	vst v0  }
0x1d: {  	[tilespmem:$0xA8B0] =	vst v0  }
0x1e: {  	[tilespmem:$0xA8C0] =	vst v0  }
0x1f: {  	[tilespmem:$0xA8D0] =	vst v0  }
0x20: {  	[tilespmem:$0xA8E0] =	vst v0  }
0x21: {  	[tilespmem:$0xA8F0] =	vst v0  }
0x22: {  	[tilespmem:$0xA900] =	vst v0  }
0x23: {  	[tilespmem:$0xA910] =	vst v0  }
0x24: {  	[tilespmem:$0xA920] =	vst v0  }
0x25: {  	[tilespmem:$0xA930] =	vst v0  }
0x26: {  	[tilespmem:$0xA940] =	vst v0  }
0x27: {  	[tilespmem:$0xA950] =	vst v0  }
0x28: {  	[tilespmem:$0xA960] =	vst v0  }
0x29: {  	[tilespmem:$0xA970] =	vst v0  }
0x2a: {  	[tilespmem:$0xA980] =	vst v0  }
0x2b: {  	[tilespmem:$0xA990] =	vst v0  }
0x2c: {  	[tilespmem:$0xA9A0] =	vst v0  }
0x2d: {  	[tilespmem:$0xA9B0] =	vst v0  }
0x2e: {  	[tilespmem:$0xA9C0] =	vst v0  }
0x2f: {  	[tilespmem:$0xA9D0] =	vst v0  }
0x30: {  	[tilespmem:$0xA9E0] =	vst v0  }
0x31: {  	[tilespmem:$0xA9F0] =	vst v0  }
0x32: {  	[tilespmem:$0xAA00] =	vst v0  }
0x33: {  	[tilespmem:$0xAA10] =	vst v0  }
0x34: {  	[tilespmem:$0xAA20] =	vst v0  }
0x35: {  	[tilespmem:$0xAA30] =	vst v0  }
0x36: {  	[tilespmem:$0xAA40] =	vst v0  }
0x37: {  	[tilespmem:$0xAA50] =	vst v0  }
0x38: {  	[tilespmem:$0xAA60] =	vst v0  }
0x39: {  	[tilespmem:$0xAA70] =	vst v0  }
0x3a: {  	[tilespmem:$0xAA80] =	vst v0  }
0x3b: {  	[tilespmem:$0xAA90] =	vst v0  }
0x3c: {  	[tilespmem:$0xAAA0] =	vst v0  }
0x3d: {  	[tilespmem:$0xAAB0] =	vst v0  }
0x3e: {  	[tilespmem:$0xAAC0] =	vst v0  }
0x3f: {  	[tilespmem:$0xAAD0] =	vst v0  }
0x40: {  	[tilespmem:$0xAAE0] =	vst v0  }
0x41: {  	[tilespmem:$0xAAF0] =	vst v0  }
0x42: {  	[tilespmem:$0xAB00] =	vst v0  }
0x43: {  	[tilespmem:$0xAB10] =	vst v0  }
0x44: {  	[tilespmem:$0xAB20] =	vst v0  }
0x45: {  	[tilespmem:$0xAB30] =	vst v0  }
0x46: {  	[tilespmem:$0xAB40] =	vst v0  }
0x47: {  	[tilespmem:$0xAB50] =	vst v0  }
0x48: {  	[tilespmem:$0xAB60] =	vst v0  }
0x49: {  	[tilespmem:$0xAB70] =	vst v0  }
0x4a: {  	[tilespmem:$0xAB80] =	vst v0  }
0x4b: {  	[tilespmem:$0xAB90] =	vst v0  }
0x4c: {  	[tilespmem:$0xABA0] =	vst v0  }
0x4d: {  	[tilespmem:$0xABB0] =	vst v0  }
0x4e: {  	[tilespmem:$0xABC0] =	vst v0  }
0x4f: {  	[tilespmem:$0xABD0] =	vst v0  }
0x50: {  	[tilespmem:$0xABE0] =	vst v0  }
0x51: {  	[tilespmem:$0xABF0] =	vst v0;
	s24 =	sadd.s32 $0x0, s5  }
0x52: {  	[spmem:s24] =	stream.linear.scatter [tilespmem:s12], [sflag:$0x5], $0x400, $0x38;
	[tilespmem:$0x1E800] =	vst v63  }
0x53: {  	s24 =	simm.s32 $0x1000;
	_ =	swait.ge [sflag:s13], $0x400  }
.LBB2_2:
0x54: {  	s25 =	sshra.s32 s24, $0x2;
	[sflag:s13] =	ssyncset.done $0x0;
	p0 =	sne.s32 s24, $0x4E000  }
.Ltmp0:
0x55: {  	s25 =	sadd.s32 s25, s5;
	[sflag:s13] =	ssyncadd.s32 $0xFFFFFC00;
	(pc) =	sbr.rel @p0 .LBB2_2-.Ltmp0, $3  }
0x56: {  	[spmem:s25] =	stream.linear.scatter [tilespmem:s12], [sflag:$0x5], $0x400, $0x38;
	[tilespmem:$0x1E800] =	vst v63  }
0x57: {  	s24 =	sadd.s32 $0x1000, s24;
	_ =	sdelay $0x1  }
0x58: {  	_ =	swait.ge [sflag:s13], $0x400  }
0x59: {  	[sflag:s13] =	ssyncset.done $0x0  }
0x5a: {  	[sflag:s13] =	ssyncadd.s32 $0xFFFFFC00  }
0x5b: {  	s24 =	simm.s32 $0x0;
	[bflag:$0x0] =	sbarrier.arrive $0xFFFF  }
0x5c: {  	[tilespmem:s24], [sflag:$0x5] =	stream.linear.gather [hbm4b:s6+s24], $0x1400, $0x38;
	[tilespmem:$0x1E800] =	vst v63  }
0x5d: {  	_ =	swait.ge [sflag:s13], $0x1400  }
0x5e: {  	[sflag:s13] =	ssyncset.done $0x0  }
0x5f: {  	[sflag:s13] =	ssyncadd.s32 $0xFFFFEC00  }
0x60: {  	[tilespmem:s14], [sflag:$0x5] =	stream.linear.gather [hbm4b:s7+s24], $0x1400, $0x38;
	[tilespmem:$0x1E800] =	vst v63  }
0x61: {  	_ =	swait.ge [sflag:s13], $0x1400  }
0x62: {  	[sflag:s13] =	ssyncset.done $0x0  }
0x63: {  	[sflag:s13] =	ssyncadd.s32 $0xFFFFEC00  }
0x64: {  	[tilespmem:s16], [sflag:$0x1] =	stream.indirect.gather [hbm4b:s0+s15], $0x80, s24, s15, $0xb8;
	[tilespmem:$0x1E800] =	vst v63  }
0x65: {  	_ = 	snop  }
0x66: {  	[tilespmem:s17], [sflag:$0x2] =	stream.indirect.gather [hbm4b:s0+s15], $0x80, s15, s15, $0xb8;
	[tilespmem:$0x1E800] =	vst v63  }
0x67: {  	_ =	swait.ge [sflag:s18], $0x4000  }
0x68: {  	[sflag:s18] =	ssyncset.done $0x0  }
0x69: {  	s29 =	simm.s32 $0x1400;
	[sflag:s18] =	ssyncadd.s32 $0xFFFFC000  }
0x6a: {  	[spmem:s3] =	stream.indirect.scatter.add.f32 [tilespmem:s16], [sflag:$0x3], $0x80, s29, s15, $0xb8;
	[tilespmem:$0x1E800] =	vst v63  }
0x6b: {  	_ =	swait.ge [sflag:s19], $0x4000  }
0x6c: {  	[sflag:s19] =	ssyncset.done $0x0  }
0x6d: {  	s30 =	simm.s32 $0x100;
	[sflag:s19] =	ssyncadd.s32 $0xFFFFC000  }
0x6e: {  	[tilespmem:s16], [sflag:$0x1] =	stream.indirect.gather [hbm4b:s0+s15], $0x80, s30, s15, $0xb8;
	[tilespmem:$0x1E800] =	vst v63  }
0x6f: {  	_ =	swait.ge [sflag:s20], $0x4000  }
0x70: {  	[sflag:s20] =	ssyncset.done $0x0  }
0x71: {  	s31 =	simm.s32 $0x1480;
	[sflag:s20] =	ssyncadd.s32 $0xFFFFC000  }
0x72: {  	[spmem:s3] =	stream.indirect.scatter.add.f32 [tilespmem:s17], [sflag:$0x4], $0x80, s31, s15, $0xb8;
	[tilespmem:$0x1E800] =	vst v63  }
0x73: {  	_ =	swait.ge [sflag:s21], $0x4000  }
0x74: {  	[sflag:s21] =	ssyncset.done $0x0  }
0x75: {  	s25 =	simm.s32 $0x180;
	s24 =	simm.s32 $0x400;
	[sflag:s21] =	ssyncadd.s32 $0xFFFFC000  }
.LBB2_4:
0x76: {  	[tilespmem:s17], [sflag:$0x2] =	stream.indirect.gather [hbm4b:s0+s15], $0x80, s25, s15, $0xb8;
	[tilespmem:$0x1E800] =	vst v63  }
0x77: {  	s25 =	smov.u32 s24  }
0x78: {  	p0 =	sne.s32 s24, $0x4800;
	s24 =	sadd.s32 $0x400, s24;
	_ =	swait.ge [sflag:s18], $0x4000  }
0x79: {  	s25 =	sshra.s32 s25, $0x2;
	[sflag:s18] =	ssyncset.done $0x0  }
0x7a: {  	s26 =	sadd.s32 $0x1400, s25;
	[sflag:s18] =	ssyncadd.s32 $0xFFFFC000  }
0x7b: {  	[spmem:s3] =	stream.indirect.scatter.add.f32 [tilespmem:s16], [sflag:$0x3], $0x80, s26, s15, $0xb8;
	[tilespmem:$0x1E800] =	vst v63  }
0x7c: {  	_ =	swait.ge [sflag:s19], $0x4000  }
0x7d: {  	[sflag:s19] =	ssyncset.done $0x0  }
0x7e: {  	s26 =	sadd.s32 $0x100, s25;
	[sflag:s19] =	ssyncadd.s32 $0xFFFFC000  }
0x7f: {  	[tilespmem:s16], [sflag:$0x1] =	stream.indirect.gather [hbm4b:s0+s15], $0x80, s26, s15, $0xb8;
	[tilespmem:$0x1E800] =	vst v63  }
0x80: {  	_ =	swait.ge [sflag:s20], $0x4000  }
0x81: {  	[sflag:s20] =	ssyncset.done $0x0  }
.Ltmp1:
0x82: {  	s26 =	sadd.s32 $0x1480, s25;
	[sflag:s20] =	ssyncadd.s32 $0xFFFFC000;
	(pc) =	sbr.rel @p0 .LBB2_4-.Ltmp1, $4  }
0x83: {  	[spmem:s3] =	stream.indirect.scatter.add.f32 [tilespmem:s17], [sflag:$0x4], $0x80, s26, s15, $0xb8;
	[tilespmem:$0x1E800] =	vst v63  }
0x84: {  	_ =	swait.ge [sflag:s21], $0x4000  }
0x85: {  	[sflag:s21] =	ssyncset.done $0x0  }
0x86: {  	s25 =	sadd.s32 $0x180, s25;
	[sflag:s21] =	ssyncadd.s32 $0xFFFFC000  }
0x87: {  	[tilespmem:s17], [sflag:$0x2] =	stream.indirect.gather [hbm4b:s0+s15], $0x80, s25, s15, $0xb8;
	[tilespmem:$0x1E800] =	vst v63  }
0x88: {  	_ =	swait.ge [sflag:s18], $0x4000  }
0x89: {  	[sflag:s18] =	ssyncset.done $0x0  }
0x8a: {  	[sflag:s18] =	ssyncadd.s32 $0xFFFFC000  }
0x8b: {  	[spmem:s3] =	stream.indirect.scatter.add.f32 [tilespmem:s16], [sflag:$0x3], $0x80, s22, s15, $0xb8;
	[tilespmem:$0x1E800] =	vst v63  }
0x8c: {  	_ =	swait.ge [sflag:s19], $0x4000  }
0x8d: {  	[sflag:s19] =	ssyncset.done $0x0  }
0x8e: {  	[sflag:s19] =	ssyncadd.s32 $0xFFFFC000  }
0x8f: {  	_ =	swait.ge [sflag:s20], $0x4000  }
0x90: {  	[sflag:s20] =	ssyncset.done $0x0  }
0x91: {  	[sflag:s20] =	ssyncadd.s32 $0xFFFFC000  }
0x92: {  	[spmem:s3] =	stream.indirect.scatter.add.f32 [tilespmem:s17], [sflag:$0x4], $0x80, s23, s15, $0xb8;
	[tilespmem:$0x1E800] =	vst v63  }
0x93: {  	_ =	swait.ge [sflag:s21], $0x4000  }
0x94: {  	[sflag:s21] =	ssyncset.done $0x0  }
0x95: {  	s24 =	simm.s32 $0x0;
	[sflag:s21] =	ssyncadd.s32 $0xFFFFC000  }
0x96: {  	[tilespmem:s24], [sflag:$0x5] =	stream.linear.gather [hbm4b:s8+s24], $0x1400, $0x38;
	[tilespmem:$0x1E800] =	vst v63  }
0x97: {  	_ =	swait.ge [sflag:s13], $0x1400  }
0x98: {  	[sflag:s13] =	ssyncset.done $0x0  }
0x99: {  	[sflag:s13] =	ssyncadd.s32 $0xFFFFEC00  }
0x9a: {  	[tilespmem:s14], [sflag:$0x5] =	stream.linear.gather [hbm4b:s9+s24], $0x1400, $0x38;
	[tilespmem:$0x1E800] =	vst v63  }
0x9b: {  	_ =	swait.ge [sflag:s13], $0x1400  }
0x9c: {  	[sflag:s13] =	ssyncset.done $0x0  }
0x9d: {  	[sflag:s13] =	ssyncadd.s32 $0xFFFFEC00  }
0x9e: {  	[tilespmem:s16], [sflag:$0x1] =	stream.indirect.gather [hbm4b:s0+s15], $0x80, s24, s15, $0xb8;
	[tilespmem:$0x1E800] =	vst v63  }
0x9f: {  	_ = 	snop  }
0xa0: {  	[tilespmem:s17], [sflag:$0x2] =	stream.indirect.gather [hbm4b:s0+s15], $0x80, s15, s15, $0xb8;
	[tilespmem:$0x1E800] =	vst v63  }
0xa1: {  	_ =	swait.ge [sflag:s18], $0x4000  }
0xa2: {  	[sflag:s18] =	ssyncset.done $0x0  }
0xa3: {  	s29 =	simm.s32 $0x1400;
	[sflag:s18] =	ssyncadd.s32 $0xFFFFC000  }
0xa4: {  	[spmem:s3] =	stream.indirect.scatter.add.f32 [tilespmem:s16], [sflag:$0x3], $0x80, s29, s15, $0xb8;
	[tilespmem:$0x1E800] =	vst v63  }
0xa5: {  	_ =	swait.ge [sflag:s19], $0x4000  }
0xa6: {  	[sflag:s19] =	ssyncset.done $0x0  }
0xa7: {  	s30 =	simm.s32 $0x100;
	[sflag:s19] =	ssyncadd.s32 $0xFFFFC000  }
0xa8: {  	[tilespmem:s16], [sflag:$0x1] =	stream.indirect.gather [hbm4b:s0+s15], $0x80, s30, s15, $0xb8;
	[tilespmem:$0x1E800] =	vst v63  }
0xa9: {  	_ =	swait.ge [sflag:s20], $0x4000  }
0xaa: {  	[sflag:s20] =	ssyncset.done $0x0  }
0xab: {  	s31 =	simm.s32 $0x1480;
	[sflag:s20] =	ssyncadd.s32 $0xFFFFC000  }
0xac: {  	[spmem:s3] =	stream.indirect.scatter.add.f32 [tilespmem:s17], [sflag:$0x4], $0x80, s31, s15, $0xb8;
	[tilespmem:$0x1E800] =	vst v63  }
0xad: {  	_ =	swait.ge [sflag:s21], $0x4000  }
0xae: {  	[sflag:s21] =	ssyncset.done $0x0  }
0xaf: {  	s25 =	simm.s32 $0x180;
	s24 =	simm.s32 $0x400;
	[sflag:s21] =	ssyncadd.s32 $0xFFFFC000  }
.LBB2_6:
0xb0: {  	[tilespmem:s17], [sflag:$0x2] =	stream.indirect.gather [hbm4b:s0+s15], $0x80, s25, s15, $0xb8;
	[tilespmem:$0x1E800] =	vst v63  }
0xb1: {  	s25 =	smov.u32 s24  }
0xb2: {  	p0 =	sne.s32 s24, $0x4800;
	s24 =	sadd.s32 $0x400, s24;
	_ =	swait.ge [sflag:s18], $0x4000  }
0xb3: {  	s25 =	sshra.s32 s25, $0x2;
	[sflag:s18] =	ssyncset.done $0x0  }
0xb4: {  	s26 =	sadd.s32 $0x1400, s25;
	[sflag:s18] =	ssyncadd.s32 $0xFFFFC000  }
0xb5: {  	[spmem:s3] =	stream.indirect.scatter.add.f32 [tilespmem:s16], [sflag:$0x3], $0x80, s26, s15, $0xb8;
	[tilespmem:$0x1E800] =	vst v63  }
0xb6: {  	_ =	swait.ge [sflag:s19], $0x4000  }
0xb7: {  	[sflag:s19] =	ssyncset.done $0x0  }
0xb8: {  	s26 =	sadd.s32 $0x100, s25;
	[sflag:s19] =	ssyncadd.s32 $0xFFFFC000  }
0xb9: {  	[tilespmem:s16], [sflag:$0x1] =	stream.indirect.gather [hbm4b:s0+s15], $0x80, s26, s15, $0xb8;
	[tilespmem:$0x1E800] =	vst v63  }
0xba: {  	_ =	swait.ge [sflag:s20], $0x4000  }
0xbb: {  	[sflag:s20] =	ssyncset.done $0x0  }
.Ltmp2:
0xbc: {  	s26 =	sadd.s32 $0x1480, s25;
	[sflag:s20] =	ssyncadd.s32 $0xFFFFC000;
	(pc) =	sbr.rel @p0 .LBB2_6-.Ltmp2, $4  }
0xbd: {  	[spmem:s3] =	stream.indirect.scatter.add.f32 [tilespmem:s17], [sflag:$0x4], $0x80, s26, s15, $0xb8;
	[tilespmem:$0x1E800] =	vst v63  }
0xbe: {  	_ =	swait.ge [sflag:s21], $0x4000  }
0xbf: {  	[sflag:s21] =	ssyncset.done $0x0  }
0xc0: {  	s25 =	sadd.s32 $0x180, s25;
	[sflag:s21] =	ssyncadd.s32 $0xFFFFC000  }
0xc1: {  	[tilespmem:s17], [sflag:$0x2] =	stream.indirect.gather [hbm4b:s0+s15], $0x80, s25, s15, $0xb8;
	[tilespmem:$0x1E800] =	vst v63  }
0xc2: {  	_ =	swait.ge [sflag:s18], $0x4000  }
0xc3: {  	[sflag:s18] =	ssyncset.done $0x0  }
0xc4: {  	[sflag:s18] =	ssyncadd.s32 $0xFFFFC000  }
0xc5: {  	[spmem:s3] =	stream.indirect.scatter.add.f32 [tilespmem:s16], [sflag:$0x3], $0x80, s22, s15, $0xb8;
	[tilespmem:$0x1E800] =	vst v63  }
0xc6: {  	_ =	swait.ge [sflag:s19], $0x4000  }
0xc7: {  	[sflag:s19] =	ssyncset.done $0x0  }
0xc8: {  	[sflag:s19] =	ssyncadd.s32 $0xFFFFC000  }
0xc9: {  	_ =	swait.ge [sflag:s20], $0x4000  }
0xca: {  	[sflag:s20] =	ssyncset.done $0x0  }
0xcb: {  	[sflag:s20] =	ssyncadd.s32 $0xFFFFC000  }
0xcc: {  	[spmem:s3] =	stream.indirect.scatter.add.f32 [tilespmem:s17], [sflag:$0x4], $0x80, s23, s15, $0xb8;
	[tilespmem:$0x1E800] =	vst v63  }
0xcd: {  	_ =	swait.ge [sflag:s21], $0x4000  }
0xce: {  	s24 =	sshll.u32 s2, $0x6;
	s4 =	sadd.s32 $0x1, s4;
	[sflag:s21] =	ssyncset.done $0x0  }
0xcf: {  	s31 =	sshrl.u32 s5, $0x3;
	p0 =	sne.s32 s4, s11;
	[sflag:s21] =	ssyncadd.s32 $0xFFFFC000  }
.Ltmp3:
0xd0: {  	s24 =	sor.u32 $0x1C05, s24;
	[bflag:$0x0] =	sbarrier.arrive $0xFFFF;
	(pc) =	sbr.rel @p0 .LBB2_1-.Ltmp3, $4  }
0xd1: {  	[hbm:s10], [sflag:s24] =	dma.local [spmem:s31], $0x2780  }
0xd2: {  	_ =	swait.ge [sflag:s13], $0x2780  }
0xd3: {  	[sflag:s13] =	ssyncset.done $0x0  }
0xd4: {  	[sflag:s13] =	ssyncadd.s32 $0xFFFFD880  }
0xd5: {  	_ =	sfence.sel $0x180000  }
0xd6: {  	[bflag:$0x0] =	sbarrier.arrive $0xFFFF  }
0xd7: {  	p0 =	sne.s32 s2, $0x0;
	_ =	strace $0x90000047  }
0xd8: {  	s0 =	sadd.s32 @!p0 $0x100000, s1;
	[bflag:$0x2] =	sbarrier.arrive $0xFFFF  }
0xd9: {  	[sflag:s0] =	ssyncadd.tile.s32 @!p0 $0x1;
	_ =	shalt  }
.Lfunc_end2:
_tile_overlayer_lowered:
.L_overlay_start_2:
0xda: {  	(tag) =	ssettag $0x2  }
0xdb: {  	s0 =	rddreg [dreg:$0x0];
	s2 =	stileid.u32  }
0xdc: {  	s1 =	rddreg [dreg:$0x1];
	p0 =	sne.s32 s2, $0x0  }
0xdd: {  	s3 =	rddreg [dreg:$0x2];
	[bflag:$0x3] =	sbarrier.arrive $0xFFFF;
	s2 =	simm.s32 @!p0 $0x1C05  }
0xde: {  	[timem:s3], [sflag:s2] =	dma.local @!p0 [hbm:s0], s1  }
0xdf: {  	s0 =	simm.s32 @!p0 $0x5  }
0xe0: {  	_ =	swait.ge @!p0 [sflag:s0], s1  }
0xe1: {  	s1 =	ssub.s32 @!p0 $0x0, s1;
	[sflag:s0] =	ssyncset.done @!p0 $0x0  }
0xe2: {  	[sflag:s0] =	ssyncadd.s32 @!p0 s1  }
0xe3: {  	[bflag:$0x3] =	sbarrier.arrive $0xFFFF  }
0xe4: {  	_ =	shalt  }

</sc_bundles>
